<compile_context>
chip_gen: v7x
topology: tpu7x:2x2x1
jax: 0.10.2.dev20260603
libtpu: 0.0.44.dev20260713+nightly
codegen_flags: <defaults>
</compile_context>

<pallas_src>
import functools

import jax
import jax.numpy as jnp
from jax import lax
from jax.experimental import pallas as pl
from jax.experimental.pallas import tpu as pltpu
from jax.experimental.pallas import tpu_sc as plsc

SCALE = 0.7071067811865476
EMB = 64
SEQ = 200
PAD = 0
LANES = 16


def _sc_embed(tok_flat, word_table, pos_table):
    N = tok_flat.shape[0]
    info = plsc.get_sparse_core_info()
    NW = info.num_cores * info.num_subcores
    per_w = N // NW
    CH = SEQ
    NB = 6
    AHEAD = 4
    n_chunks = per_w // CH
    assert per_w % CH == 0
    KV = EMB // LANES

    mesh = plsc.VectorSubcoreMesh(core_axis_name="c", subcore_axis_name="s")

    @functools.partial(
        pl.kernel,
        out_type=jax.ShapeDtypeStruct((N, EMB), jnp.float32),
        mesh=mesh,
        compiler_params=pltpu.CompilerParams(
            needs_layout_passes=False, use_tc_tiling_on_sc=False
        ),
        scratch_types=[
            pltpu.VMEM((SEQ, EMB), jnp.float32),
            pltpu.VMEM_SHARED((SEQ, EMB), jnp.float32),
            pltpu.VMEM((per_w,), jnp.int32),
            pltpu.VMEM((NB, CH, EMB), jnp.float32),
            pltpu.SemaphoreType.DMA((NB,)),
            pltpu.SemaphoreType.DMA((NB,)),
            pltpu.SemaphoreType.DMA((NB,)),
        ],
    )
    def k(tok_hbm, table_hbm, pos_hbm, out_hbm,
          pos_v, pos_sh, idx_v, rows_v, gsem, wsem, psem):
        nc = info.num_cores
        sid = lax.axis_index("s")
        wid = sid * nc + lax.axis_index("c")
        wbase = wid * per_w

        pltpu.sync_copy(tok_hbm.at[pl.ds(wbase, per_w)], idx_v)
        pltpu.sync_copy(pos_hbm, pos_v)

        @pl.when(sid == 0)
        def _publish():
            pltpu.sync_copy(pos_v, pos_sh)

        plsc.subcore_barrier()

        def issue_prefill(b):
            pltpu.async_copy(pos_sh, rows_v.at[b], psem.at[b])

        def wait_prefill(b):
            pltpu.make_async_copy(pos_sh, rows_v.at[b], psem.at[b]).wait()

        def issue_gather(c, b):
            pltpu.async_copy(
                table_hbm.at[idx_v.at[pl.ds(c * CH, CH)]],
                rows_v.at[b],
                gsem.at[b],
                add=True,
            )

        def wait_gather(b):
            pltpu.make_async_copy(
                table_hbm.at[pl.ds(0, CH)], rows_v.at[b], gsem.at[b]
            ).wait()

        def issue_write(c, b):
            pltpu.async_copy(
                rows_v.at[b],
                out_hbm.at[pl.ds(wbase + c * CH, CH)],
                wsem.at[b],
            )

        def wait_write(b):
            pltpu.make_async_copy(
                rows_v.at[b], out_hbm.at[pl.ds(0, CH)], wsem.at[b]
            ).wait()

        for i in range(NB):
            issue_prefill(i)
        for i in range(AHEAD):
            wait_prefill(i)
            issue_gather(i, i)

        def chunk_body(c, _):
            b = c % NB
            wait_gather(b)

            cbase = c * CH

            def scan_body(g, acc):
                iv = idx_v[pl.ds(cbase + g * LANES, 16)]
                return acc + jnp.where(iv == PAD, jnp.int32(1), jnp.int32(0))

            acc = lax.fori_loop(
                0, CH // LANES, scan_body, jnp.zeros((16,), jnp.int32)
            )
            npad = jnp.sum(acc)

            @pl.when(npad > 0)
            def _fix():
                def fix_body(j, _):
                    bc = plsc.load_gather(
                        idx_v, [jnp.full((16,), cbase + j, jnp.int32)]
                    )
                    is_pad = bc == PAD
                    for kk in range(KV):
                        sl = pl.ds(kk * LANES, 16)
                        v = rows_v[b, j, sl]
                        rows_v[b, j, sl] = jnp.where(is_pad, pos_v[j, sl], v)
                    return 0

                lax.fori_loop(0, CH, fix_body, 0)

            @plsc.parallel_loop(0, CH, step=1, unroll=8)
            def _mul(j):
                for kk in range(KV):
                    sl = pl.ds(kk * LANES, 16)
                    rows_v[b, j, sl] = rows_v[b, j, sl] * SCALE

            issue_write(c, b)

            @pl.when(c >= 1)
            def _drain():
                wait_write((c - 1) % NB)

                @pl.when(c < n_chunks - (AHEAD + 1))
                def _pf():
                    issue_prefill((c - 1) % NB)

            @pl.when(c + AHEAD < n_chunks)
            def _next():
                wait_prefill((c - 2) % NB)
                issue_gather(c + AHEAD, (c - 2) % NB)

            return 0

        lax.fori_loop(0, n_chunks, chunk_body, 0)
        wait_write((n_chunks - 1) % NB)

    return k(tok_flat, word_table, pos_table)


def kernel(tok_ids, word_table, pos_table):
    B, S = tok_ids.shape
    tok_flat = tok_ids.reshape(-1).astype(jnp.int32)
    out = _sc_embed(tok_flat, word_table, pos_table)
    return out.reshape(B, S, EMB)

# --- scband reference (transcript-rebuilt; emitter-appended) ---
"""Pipeline reference for scband-embedder-60576218742881 (READ-ONLY COPY).

The authoritative reference and input builder live on the scoring server;
editing this copy changes nothing except your own understanding.
"""

import jax, jax.numpy as jnp
import numpy as np

VOC_DIM = 1000000
EMB_DIM = 64
PAD_IDX = 0
MAX_LEN = 200
BATCH = 4096
SEQ_LEN = 200


def setup_inputs(seed: int = 0) -> dict:
    key = jax.random.key(seed)
    k1, k2, k3 = jax.random.split(key, 3)
    tok_ids = jax.random.randint(k1, (BATCH, SEQ_LEN), 0, VOC_DIM, dtype=jnp.int64 if jax.config.jax_enable_x64 else jnp.int32)
    word_table = jax.random.normal(k2, (VOC_DIM, EMB_DIM), dtype=jnp.float32) * 0.02
    pos_table = jax.random.normal(k3, (MAX_LEN, EMB_DIM), dtype=jnp.float32) * 0.02
    return {"tok_ids": tok_ids, "word_table": word_table, "pos_table": pos_table}


def reference(tok_ids, word_table, pos_table):
    # Emulate nn.Embedding(padding_idx=0): padding row is always zero.
    word_table = word_table.at[PAD_IDX].set(0.0)
    # word embedding lookup (gather)
    word_embedded = jnp.take(word_table, tok_ids, axis=0)  # [B, S, D]
    # positional embedding: pos = arange(S) repeated over batch
    pos = jnp.arange(tok_ids.shape[1])
    pos_embedded = jnp.take(pos_table, pos, axis=0)[None, :, :]  # [1, S, D]
    out = (word_embedded + pos_embedded) * (0.5 ** 0.5)
    # Embedder.forward concatenates the single enabled feature along last dim
    embedded = jnp.concatenate([out], axis=-1)
    return embedded

if __name__ == "__main__":
    import jax
    _d = setup_inputs()
    print(jax.jit(kernel)(*tuple(_d.values())))

</pallas_src>

<mosaic_0001>
#map = affine_map<(d0, d1) -> (0)>
#map1 = affine_map<(d0, d1) -> (0, 0)>
module attributes {stable_mosaic.version = 14 : i64} {
  func.func @k(%arg0: i32, %arg1: i32, %arg2: memref<819200xi32, #tpu.memory_space<hbm>>, %arg3: memref<1000000x64xf32, #tpu.memory_space<hbm>>, %arg4: memref<200x64xf32, #tpu.memory_space<hbm>>, %arg5: memref<819200x64xf32, #tpu.memory_space<hbm>>, %arg6: memref<200x64xf32, #tpu.memory_space<vmem>>, %arg7: memref<200x64xf32, #tpu.memory_space<vmem_shared>>, %arg8: memref<25600xi32, #tpu.memory_space<vmem>>, %arg9: memref<6x200x64xf32, #tpu.memory_space<vmem>>, %arg10: memref<6x!tpu.dma_semaphore, #tpu.memory_space<semaphore_mem>>, %arg11: memref<6x!tpu.dma_semaphore, #tpu.memory_space<semaphore_mem>>, %arg12: memref<6x!tpu.dma_semaphore, #tpu.memory_space<semaphore_mem>>) attributes {dimension_semantics = [#tpu.dimension_semantics<core_parallel>, #tpu.dimension_semantics<subcore_parallel>], iteration_bounds = array<i64: 2, 16>, scalar_prefetch = 0 : i64, scratch_operands = 7 : i64, tpu.core_type = #tpu.core_type<sc_vector_subcore>, window_params = [{transform_indices = #map}, {transform_indices = #map1}, {transform_indices = #map1}, {transform_indices = #map1}]} {
    %mul3A = arith.constant 2 : i32
    %mul3A_0 = arith.muli %arg1, %mul3A : i32
    %add3A = arith.addi %mul3A_0, %arg0 : i32
    %mul3A_1 = arith.constant 25600 : i32
    %mul3A_2 = arith.muli %add3A, %mul3A_1 : i32
    "tpu.region"() ({
      %run_scoped3A = tpu.sem_alloc : memref<!tpu.dma_semaphore, #tpu.memory_space<semaphore_mem>>
      %dma_start3A_199 = tpu.memref_slice %arg2[%mul3A_2] : memref<819200xi32, #tpu.memory_space<hbm>> -> memref<25600xi32, #tpu.memory_space<hbm>>
      %dma_start3A_200 = tpu.memref_slice %arg2[%mul3A_2] : memref<819200xi32, #tpu.memory_space<hbm>> -> memref<25600xi32, #tpu.memory_space<hbm>>
      tpu.enqueue_dma source(%dma_start3A_200 : memref<25600xi32, #tpu.memory_space<hbm>>) target(%arg8 : memref<25600xi32, #tpu.memory_space<vmem>>) target_semaphore(%run_scoped3A : memref<!tpu.dma_semaphore, #tpu.memory_space<semaphore_mem>>)
      %dma_wait3A_201 = tpu.memref_slice %arg2[%mul3A_2] : memref<819200xi32, #tpu.memory_space<hbm>> -> memref<25600xi32, #tpu.memory_space<hbm>>
      %dma_wait3A_202 = tpu.memref_slice %arg2[%mul3A_2] : memref<819200xi32, #tpu.memory_space<hbm>> -> memref<25600xi32, #tpu.memory_space<hbm>>
      tpu.wait_dma2 semaphore(%run_scoped3A : memref<!tpu.dma_semaphore, #tpu.memory_space<semaphore_mem>>) src(%dma_wait3A_202 : memref<25600xi32, #tpu.memory_space<hbm>>) dst(%arg8 : memref<25600xi32, #tpu.memory_space<vmem>>)
      tpu.yield
    }) : () -> ()
    "tpu.region"() ({
      %run_scoped3A = tpu.sem_alloc : memref<!tpu.dma_semaphore, #tpu.memory_space<semaphore_mem>>
      tpu.enqueue_dma source(%arg4 : memref<200x64xf32, #tpu.memory_space<hbm>>) target(%arg6 : memref<200x64xf32, #tpu.memory_space<vmem>>) target_semaphore(%run_scoped3A : memref<!tpu.dma_semaphore, #tpu.memory_space<semaphore_mem>>)
      tpu.wait_dma2 semaphore(%run_scoped3A : memref<!tpu.dma_semaphore, #tpu.memory_space<semaphore_mem>>) src(%arg4 : memref<200x64xf32, #tpu.memory_space<hbm>>) dst(%arg6 : memref<200x64xf32, #tpu.memory_space<vmem>>)
      tpu.yield
    }) : () -> ()
    %eq3A = arith.constant 0 : i32
    %eq3A_3 = arith.cmpi eq, %arg1, %eq3A : i32
    %convert_element_type3A = arith.extui %eq3A_3 : i1 to i32
    %cond3A = arith.constant 0 : i32
    %cond3A_4 = arith.cmpi ne, %convert_element_type3A, %cond3A : i32
    scf.if %cond3A_4 {
      "tpu.region"() ({
        %run_scoped3A = tpu.sem_alloc : memref<!tpu.dma_semaphore, #tpu.memory_space<semaphore_mem>>
        tpu.enqueue_dma source(%arg6 : memref<200x64xf32, #tpu.memory_space<vmem>>) target(%arg7 : memref<200x64xf32, #tpu.memory_space<vmem_shared>>) target_semaphore(%run_scoped3A : memref<!tpu.dma_semaphore, #tpu.memory_space<semaphore_mem>>)
        tpu.wait_dma2 semaphore(%run_scoped3A : memref<!tpu.dma_semaphore, #tpu.memory_space<semaphore_mem>>) src(%arg6 : memref<200x64xf32, #tpu.memory_space<vmem>>) dst(%arg7 : memref<200x64xf32, #tpu.memory_space<vmem_shared>>)
        tpu.yield
      }) : () -> ()
    } else {
    }
    %barrier3A = arith.constant 0 : index
    tpu.barrier barrier_id(%barrier3A)
    %dma_start3A = arith.constant 0 : i32
    %dma_start3A_5 = arith.constant 0 : i32
    %dma_start3A_6 = arith.constant 0 : i32
    %dma_start3A_7 = arith.constant 0 : i32
    %dma_start3A_8 = tpu.memref_slice %arg9[%dma_start3A, %dma_start3A_6, %dma_start3A_7] : memref<6x200x64xf32, #tpu.memory_space<vmem>> -> memref<1x200x64xf32, #tpu.memory_space<vmem>>
    %dma_start3A_9 = tpu.memref_squeeze %dma_start3A_8 : memref<1x200x64xf32, #tpu.memory_space<vmem>> -> memref<200x64xf32, #tpu.memory_space<vmem>>
    %dma_start3A_10 = tpu.memref_slice %arg12[%dma_start3A_5] : memref<6x!tpu.dma_semaphore, #tpu.memory_space<semaphore_mem>> -> memref<1x!tpu.dma_semaphore, #tpu.memory_space<semaphore_mem>>
    %dma_start3A_11 = tpu.memref_squeeze %dma_start3A_10 : memref<1x!tpu.dma_semaphore, #tpu.memory_space<semaphore_mem>> -> memref<!tpu.dma_semaphore, #tpu.memory_space<semaphore_mem>>
    %dma_start3A_12 = arith.constant 0 : i32
    %dma_start3A_13 = arith.constant 0 : i32
    %dma_start3A_14 = tpu.memref_slice %arg9[%dma_start3A, %dma_start3A_12, %dma_start3A_13] : memref<6x200x64xf32, #tpu.memory_space<vmem>> -> memref<1x200x64xf32, #tpu.memory_space<vmem>>
    %dma_start3A_15 = tpu.memref_squeeze %dma_start3A_14 : memref<1x200x64xf32, #tpu.memory_space<vmem>> -> memref<200x64xf32, #tpu.memory_space<vmem>>
    tpu.enqueue_dma source(%arg7 : memref<200x64xf32, #tpu.memory_space<vmem_shared>>) target(%dma_start3A_15 : memref<200x64xf32, #tpu.memory_space<vmem>>) target_semaphore(%dma_start3A_11 : memref<!tpu.dma_semaphore, #tpu.memory_space<semaphore_mem>>)
    %dma_start3A_16 = arith.constant 1 : i32
    %dma_start3A_17 = arith.constant 1 : i32
    %dma_start3A_18 = arith.constant 0 : i32
    %dma_start3A_19 = arith.constant 0 : i32
    %dma_start3A_20 = tpu.memref_slice %arg9[%dma_start3A_16, %dma_start3A_18, %dma_start3A_19] : memref<6x200x64xf32, #tpu.memory_space<vmem>> -> memref<1x200x64xf32, #tpu.memory_space<vmem>>
    %dma_start3A_21 = tpu.memref_squeeze %dma_start3A_20 : memref<1x200x64xf32, #tpu.memory_space<vmem>> -> memref<200x64xf32, #tpu.memory_space<vmem>>
    %dma_start3A_22 = tpu.memref_slice %arg12[%dma_start3A_17] : memref<6x!tpu.dma_semaphore, #tpu.memory_space<semaphore_mem>> -> memref<1x!tpu.dma_semaphore, #tpu.memory_space<semaphore_mem>>
    %dma_start3A_23 = tpu.memref_squeeze %dma_start3A_22 : memref<1x!tpu.dma_semaphore, #tpu.memory_space<semaphore_mem>> -> memref<!tpu.dma_semaphore, #tpu.memory_space<semaphore_mem>>
    %dma_start3A_24 = arith.constant 0 : i32
    %dma_start3A_25 = arith.constant 0 : i32
    %dma_start3A_26 = tpu.memref_slice %arg9[%dma_start3A_16, %dma_start3A_24, %dma_start3A_25] : memref<6x200x64xf32, #tpu.memory_space<vmem>> -> memref<1x200x64xf32, #tpu.memory_space<vmem>>
    %dma_start3A_27 = tpu.memref_squeeze %dma_start3A_26 : memref<1x200x64xf32, #tpu.memory_space<vmem>> -> memref<200x64xf32, #tpu.memory_space<vmem>>
    tpu.enqueue_dma source(%arg7 : memref<200x64xf32, #tpu.memory_space<vmem_shared>>) target(%dma_start3A_27 : memref<200x64xf32, #tpu.memory_space<vmem>>) target_semaphore(%dma_start3A_23 : memref<!tpu.dma_semaphore, #tpu.memory_space<semaphore_mem>>)
    %dma_start3A_28 = arith.constant 2 : i32
    %dma_start3A_29 = arith.constant 2 : i32
    %dma_start3A_30 = arith.constant 0 : i32
    %dma_start3A_31 = arith.constant 0 : i32
    %dma_start3A_32 = tpu.memref_slice %arg9[%dma_start3A_28, %dma_start3A_30, %dma_start3A_31] : memref<6x200x64xf32, #tpu.memory_space<vmem>> -> memref<1x200x64xf32, #tpu.memory_space<vmem>>
    %dma_start3A_33 = tpu.memref_squeeze %dma_start3A_32 : memref<1x200x64xf32, #tpu.memory_space<vmem>> -> memref<200x64xf32, #tpu.memory_space<vmem>>
    %dma_start3A_34 = tpu.memref_slice %arg12[%dma_start3A_29] : memref<6x!tpu.dma_semaphore, #tpu.memory_space<semaphore_mem>> -> memref<1x!tpu.dma_semaphore, #tpu.memory_space<semaphore_mem>>
    %dma_start3A_35 = tpu.memref_squeeze %dma_start3A_34 : memref<1x!tpu.dma_semaphore, #tpu.memory_space<semaphore_mem>> -> memref<!tpu.dma_semaphore, #tpu.memory_space<semaphore_mem>>
    %dma_start3A_36 = arith.constant 0 : i32
    %dma_start3A_37 = arith.constant 0 : i32
    %dma_start3A_38 = tpu.memref_slice %arg9[%dma_start3A_28, %dma_start3A_36, %dma_start3A_37] : memref<6x200x64xf32, #tpu.memory_space<vmem>> -> memref<1x200x64xf32, #tpu.memory_space<vmem>>
    %dma_start3A_39 = tpu.memref_squeeze %dma_start3A_38 : memref<1x200x64xf32, #tpu.memory_space<vmem>> -> memref<200x64xf32, #tpu.memory_space<vmem>>
    tpu.enqueue_dma source(%arg7 : memref<200x64xf32, #tpu.memory_space<vmem_shared>>) target(%dma_start3A_39 : memref<200x64xf32, #tpu.memory_space<vmem>>) target_semaphore(%dma_start3A_35 : memref<!tpu.dma_semaphore, #tpu.memory_space<semaphore_mem>>)
    %dma_start3A_40 = arith.constant 3 : i32
    %dma_start3A_41 = arith.constant 3 : i32
    %dma_start3A_42 = arith.constant 0 : i32
    %dma_start3A_43 = arith.constant 0 : i32
    %dma_start3A_44 = tpu.memref_slice %arg9[%dma_start3A_40, %dma_start3A_42, %dma_start3A_43] : memref<6x200x64xf32, #tpu.memory_space<vmem>> -> memref<1x200x64xf32, #tpu.memory_space<vmem>>
    %dma_start3A_45 = tpu.memref_squeeze %dma_start3A_44 : memref<1x200x64xf32, #tpu.memory_space<vmem>> -> memref<200x64xf32, #tpu.memory_space<vmem>>
    %dma_start3A_46 = tpu.memref_slice %arg12[%dma_start3A_41] : memref<6x!tpu.dma_semaphore, #tpu.memory_space<semaphore_mem>> -> memref<1x!tpu.dma_semaphore, #tpu.memory_space<semaphore_mem>>
    %dma_start3A_47 = tpu.memref_squeeze %dma_start3A_46 : memref<1x!tpu.dma_semaphore, #tpu.memory_space<semaphore_mem>> -> memref<!tpu.dma_semaphore, #tpu.memory_space<semaphore_mem>>
    %dma_start3A_48 = arith.constant 0 : i32
    %dma_start3A_49 = arith.constant 0 : i32
    %dma_start3A_50 = tpu.memref_slice %arg9[%dma_start3A_40, %dma_start3A_48, %dma_start3A_49] : memref<6x200x64xf32, #tpu.memory_space<vmem>> -> memref<1x200x64xf32, #tpu.memory_space<vmem>>
    %dma_start3A_51 = tpu.memref_squeeze %dma_start3A_50 : memref<1x200x64xf32, #tpu.memory_space<vmem>> -> memref<200x64xf32, #tpu.memory_space<vmem>>
    tpu.enqueue_dma source(%arg7 : memref<200x64xf32, #tpu.memory_space<vmem_shared>>) target(%dma_start3A_51 : memref<200x64xf32, #tpu.memory_space<vmem>>) target_semaphore(%dma_start3A_47 : memref<!tpu.dma_semaphore, #tpu.memory_space<semaphore_mem>>)
    %dma_start3A_52 = arith.constant 4 : i32
    %dma_start3A_53 = arith.constant 4 : i32
    %dma_start3A_54 = arith.constant 0 : i32
    %dma_start3A_55 = arith.constant 0 : i32
    %dma_start3A_56 = tpu.memref_slice %arg9[%dma_start3A_52, %dma_start3A_54, %dma_start3A_55] : memref<6x200x64xf32, #tpu.memory_space<vmem>> -> memref<1x200x64xf32, #tpu.memory_space<vmem>>
    %dma_start3A_57 = tpu.memref_squeeze %dma_start3A_56 : memref<1x200x64xf32, #tpu.memory_space<vmem>> -> memref<200x64xf32, #tpu.memory_space<vmem>>
    %dma_start3A_58 = tpu.memref_slice %arg12[%dma_start3A_53] : memref<6x!tpu.dma_semaphore, #tpu.memory_space<semaphore_mem>> -> memref<1x!tpu.dma_semaphore, #tpu.memory_space<semaphore_mem>>
    %dma_start3A_59 = tpu.memref_squeeze %dma_start3A_58 : memref<1x!tpu.dma_semaphore, #tpu.memory_space<semaphore_mem>> -> memref<!tpu.dma_semaphore, #tpu.memory_space<semaphore_mem>>
    %dma_start3A_60 = arith.constant 0 : i32
    %dma_start3A_61 = arith.constant 0 : i32
    %dma_start3A_62 = tpu.memref_slice %arg9[%dma_start3A_52, %dma_start3A_60, %dma_start3A_61] : memref<6x200x64xf32, #tpu.memory_space<vmem>> -> memref<1x200x64xf32, #tpu.memory_space<vmem>>
    %dma_start3A_63 = tpu.memref_squeeze %dma_start3A_62 : memref<1x200x64xf32, #tpu.memory_space<vmem>> -> memref<200x64xf32, #tpu.memory_space<vmem>>
    tpu.enqueue_dma source(%arg7 : memref<200x64xf32, #tpu.memory_space<vmem_shared>>) target(%dma_start3A_63 : memref<200x64xf32, #tpu.memory_space<vmem>>) target_semaphore(%dma_start3A_59 : memref<!tpu.dma_semaphore, #tpu.memory_space<semaphore_mem>>)
    %dma_start3A_64 = arith.constant 5 : i32
    %dma_start3A_65 = arith.constant 5 : i32
    %dma_start3A_66 = arith.constant 0 : i32
    %dma_start3A_67 = arith.constant 0 : i32
    %dma_start3A_68 = tpu.memref_slice %arg9[%dma_start3A_64, %dma_start3A_66, %dma_start3A_67] : memref<6x200x64xf32, #tpu.memory_space<vmem>> -> memref<1x200x64xf32, #tpu.memory_space<vmem>>
    %dma_start3A_69 = tpu.memref_squeeze %dma_start3A_68 : memref<1x200x64xf32, #tpu.memory_space<vmem>> -> memref<200x64xf32, #tpu.memory_space<vmem>>
    %dma_start3A_70 = tpu.memref_slice %arg12[%dma_start3A_65] : memref<6x!tpu.dma_semaphore, #tpu.memory_space<semaphore_mem>> -> memref<1x!tpu.dma_semaphore, #tpu.memory_space<semaphore_mem>>
    %dma_start3A_71 = tpu.memref_squeeze %dma_start3A_70 : memref<1x!tpu.dma_semaphore, #tpu.memory_space<semaphore_mem>> -> memref<!tpu.dma_semaphore, #tpu.memory_space<semaphore_mem>>
    %dma_start3A_72 = arith.constant 0 : i32
    %dma_start3A_73 = arith.constant 0 : i32
    %dma_start3A_74 = tpu.memref_slice %arg9[%dma_start3A_64, %dma_start3A_72, %dma_start3A_73] : memref<6x200x64xf32, #tpu.memory_space<vmem>> -> memref<1x200x64xf32, #tpu.memory_space<vmem>>
    %dma_start3A_75 = tpu.memref_squeeze %dma_start3A_74 : memref<1x200x64xf32, #tpu.memory_space<vmem>> -> memref<200x64xf32, #tpu.memory_space<vmem>>
    tpu.enqueue_dma source(%arg7 : memref<200x64xf32, #tpu.memory_space<vmem_shared>>) target(%dma_start3A_75 : memref<200x64xf32, #tpu.memory_space<vmem>>) target_semaphore(%dma_start3A_71 : memref<!tpu.dma_semaphore, #tpu.memory_space<semaphore_mem>>)
    %dma_wait3A = arith.constant 0 : i32
    %dma_wait3A_76 = arith.constant 0 : i32
    %dma_wait3A_77 = arith.constant 0 : i32
    %dma_wait3A_78 = arith.constant 0 : i32
    %dma_wait3A_79 = tpu.memref_slice %arg9[%dma_wait3A, %dma_wait3A_77, %dma_wait3A_78] : memref<6x200x64xf32, #tpu.memory_space<vmem>> -> memref<1x200x64xf32, #tpu.memory_space<vmem>>
    %dma_wait3A_80 = tpu.memref_squeeze %dma_wait3A_79 : memref<1x200x64xf32, #tpu.memory_space<vmem>> -> memref<200x64xf32, #tpu.memory_space<vmem>>
    %dma_wait3A_81 = tpu.memref_slice %arg12[%dma_wait3A_76] : memref<6x!tpu.dma_semaphore, #tpu.memory_space<semaphore_mem>> -> memref<1x!tpu.dma_semaphore, #tpu.memory_space<semaphore_mem>>
    %dma_wait3A_82 = tpu.memref_squeeze %dma_wait3A_81 : memref<1x!tpu.dma_semaphore, #tpu.memory_space<semaphore_mem>> -> memref<!tpu.dma_semaphore, #tpu.memory_space<semaphore_mem>>
    %dma_wait3A_83 = arith.constant 0 : i32
    %dma_wait3A_84 = arith.constant 0 : i32
    %dma_wait3A_85 = tpu.memref_slice %arg9[%dma_wait3A, %dma_wait3A_83, %dma_wait3A_84] : memref<6x200x64xf32, #tpu.memory_space<vmem>> -> memref<1x200x64xf32, #tpu.memory_space<vmem>>
    %dma_wait3A_86 = tpu.memref_squeeze %dma_wait3A_85 : memref<1x200x64xf32, #tpu.memory_space<vmem>> -> memref<200x64xf32, #tpu.memory_space<vmem>>
    tpu.wait_dma2 semaphore(%dma_wait3A_82 : memref<!tpu.dma_semaphore, #tpu.memory_space<semaphore_mem>>) src(%arg7 : memref<200x64xf32, #tpu.memory_space<vmem_shared>>) dst(%dma_wait3A_86 : memref<200x64xf32, #tpu.memory_space<vmem>>)
    %dma_start3A_87 = arith.constant 0 : i32
    %dma_start3A_88 = arith.constant 0 : i32
    %dma_start3A_89 = arith.constant 0 : i32
    %dma_start3A_90 = arith.constant 0 : i32
    %dma_start3A_91 = tpu.memref_slice %arg9[%dma_start3A_87, %dma_start3A_89, %dma_start3A_90] : memref<6x200x64xf32, #tpu.memory_space<vmem>> -> memref<1x200x64xf32, #tpu.memory_space<vmem>>
    %dma_start3A_92 = tpu.memref_squeeze %dma_start3A_91 : memref<1x200x64xf32, #tpu.memory_space<vmem>> -> memref<200x64xf32, #tpu.memory_space<vmem>>
    %dma_start3A_93 = arith.constant 0 : i32
    %dma_start3A_94 = tpu.memref_slice %arg8[%dma_start3A_93] : memref<25600xi32, #tpu.memory_space<vmem>> -> memref<200xi32, #tpu.memory_space<vmem>>
    %dma_start3A_95 = arith.constant 0 : i32
    %dma_start3A_96 = arith.constant 0 : i32
    %dma_start3A_97 = tpu.memref_slice %arg3[%dma_start3A_95, %dma_start3A_96] : memref<1000000x64xf32, #tpu.memory_space<hbm>> -> memref<1000000x64xf32, #tpu.memory_space<hbm>>
    %dma_start3A_98 = tpu.memref_slice %arg10[%dma_start3A_88] : memref<6x!tpu.dma_semaphore, #tpu.memory_space<semaphore_mem>> -> memref<1x!tpu.dma_semaphore, #tpu.memory_space<semaphore_mem>>
    %dma_start3A_99 = tpu.memref_squeeze %dma_start3A_98 : memref<1x!tpu.dma_semaphore, #tpu.memory_space<semaphore_mem>> -> memref<!tpu.dma_semaphore, #tpu.memory_space<semaphore_mem>>
    tpu.enqueue_indirect_dma source(%dma_start3A_97 : memref<1000000x64xf32, #tpu.memory_space<hbm>>) target(%dma_start3A_92 : memref<200x64xf32, #tpu.memory_space<vmem>>) offsets(%dma_start3A_94 : memref<200xi32, #tpu.memory_space<vmem>>) semaphore(%dma_start3A_99 : memref<!tpu.dma_semaphore, #tpu.memory_space<semaphore_mem>>) {add = true}
    %dma_wait3A_100 = arith.constant 1 : i32
    %dma_wait3A_101 = arith.constant 1 : i32
    %dma_wait3A_102 = arith.constant 0 : i32
    %dma_wait3A_103 = arith.constant 0 : i32
    %dma_wait3A_104 = tpu.memref_slice %arg9[%dma_wait3A_100, %dma_wait3A_102, %dma_wait3A_103] : memref<6x200x64xf32, #tpu.memory_space<vmem>> -> memref<1x200x64xf32, #tpu.memory_space<vmem>>
    %dma_wait3A_105 = tpu.memref_squeeze %dma_wait3A_104 : memref<1x200x64xf32, #tpu.memory_space<vmem>> -> memref<200x64xf32, #tpu.memory_space<vmem>>
    %dma_wait3A_106 = tpu.memref_slice %arg12[%dma_wait3A_101] : memref<6x!tpu.dma_semaphore, #tpu.memory_space<semaphore_mem>> -> memref<1x!tpu.dma_semaphore, #tpu.memory_space<semaphore_mem>>
    %dma_wait3A_107 = tpu.memref_squeeze %dma_wait3A_106 : memref<1x!tpu.dma_semaphore, #tpu.memory_space<semaphore_mem>> -> memref<!tpu.dma_semaphore, #tpu.memory_space<semaphore_mem>>
    %dma_wait3A_108 = arith.constant 0 : i32
    %dma_wait3A_109 = arith.constant 0 : i32
    %dma_wait3A_110 = tpu.memref_slice %arg9[%dma_wait3A_100, %dma_wait3A_108, %dma_wait3A_109] : memref<6x200x64xf32, #tpu.memory_space<vmem>> -> memref<1x200x64xf32, #tpu.memory_space<vmem>>
    %dma_wait3A_111 = tpu.memref_squeeze %dma_wait3A_110 : memref<1x200x64xf32, #tpu.memory_space<vmem>> -> memref<200x64xf32, #tpu.memory_space<vmem>>
    tpu.wait_dma2 semaphore(%dma_wait3A_107 : memref<!tpu.dma_semaphore, #tpu.memory_space<semaphore_mem>>) src(%arg7 : memref<200x64xf32, #tpu.memory_space<vmem_shared>>) dst(%dma_wait3A_111 : memref<200x64xf32, #tpu.memory_space<vmem>>)
    %dma_start3A_112 = arith.constant 1 : i32
    %dma_start3A_113 = arith.constant 1 : i32
    %dma_start3A_114 = arith.constant 0 : i32
    %dma_start3A_115 = arith.constant 0 : i32
    %dma_start3A_116 = tpu.memref_slice %arg9[%dma_start3A_112, %dma_start3A_114, %dma_start3A_115] : memref<6x200x64xf32, #tpu.memory_space<vmem>> -> memref<1x200x64xf32, #tpu.memory_space<vmem>>
    %dma_start3A_117 = tpu.memref_squeeze %dma_start3A_116 : memref<1x200x64xf32, #tpu.memory_space<vmem>> -> memref<200x64xf32, #tpu.memory_space<vmem>>
    %dma_start3A_118 = arith.constant 200 : i32
    %dma_start3A_119 = tpu.memref_slice %arg8[%dma_start3A_118] : memref<25600xi32, #tpu.memory_space<vmem>> -> memref<200xi32, #tpu.memory_space<vmem>>
    %dma_start3A_120 = arith.constant 0 : i32
    %dma_start3A_121 = arith.constant 0 : i32
    %dma_start3A_122 = tpu.memref_slice %arg3[%dma_start3A_120, %dma_start3A_121] : memref<1000000x64xf32, #tpu.memory_space<hbm>> -> memref<1000000x64xf32, #tpu.memory_space<hbm>>
    %dma_start3A_123 = tpu.memref_slice %arg10[%dma_start3A_113] : memref<6x!tpu.dma_semaphore, #tpu.memory_space<semaphore_mem>> -> memref<1x!tpu.dma_semaphore, #tpu.memory_space<semaphore_mem>>
    %dma_start3A_124 = tpu.memref_squeeze %dma_start3A_123 : memref<1x!tpu.dma_semaphore, #tpu.memory_space<semaphore_mem>> -> memref<!tpu.dma_semaphore, #tpu.memory_space<semaphore_mem>>
    tpu.enqueue_indirect_dma source(%dma_start3A_122 : memref<1000000x64xf32, #tpu.memory_space<hbm>>) target(%dma_start3A_117 : memref<200x64xf32, #tpu.memory_space<vmem>>) offsets(%dma_start3A_119 : memref<200xi32, #tpu.memory_space<vmem>>) semaphore(%dma_start3A_124 : memref<!tpu.dma_semaphore, #tpu.memory_space<semaphore_mem>>) {add = true}
    %dma_wait3A_125 = arith.constant 2 : i32
    %dma_wait3A_126 = arith.constant 2 : i32
    %dma_wait3A_127 = arith.constant 0 : i32
    %dma_wait3A_128 = arith.constant 0 : i32
    %dma_wait3A_129 = tpu.memref_slice %arg9[%dma_wait3A_125, %dma_wait3A_127, %dma_wait3A_128] : memref<6x200x64xf32, #tpu.memory_space<vmem>> -> memref<1x200x64xf32, #tpu.memory_space<vmem>>
    %dma_wait3A_130 = tpu.memref_squeeze %dma_wait3A_129 : memref<1x200x64xf32, #tpu.memory_space<vmem>> -> memref<200x64xf32, #tpu.memory_space<vmem>>
    %dma_wait3A_131 = tpu.memref_slice %arg12[%dma_wait3A_126] : memref<6x!tpu.dma_semaphore, #tpu.memory_space<semaphore_mem>> -> memref<1x!tpu.dma_semaphore, #tpu.memory_space<semaphore_mem>>
    %dma_wait3A_132 = tpu.memref_squeeze %dma_wait3A_131 : memref<1x!tpu.dma_semaphore, #tpu.memory_space<semaphore_mem>> -> memref<!tpu.dma_semaphore, #tpu.memory_space<semaphore_mem>>
    %dma_wait3A_133 = arith.constant 0 : i32
    %dma_wait3A_134 = arith.constant 0 : i32
    %dma_wait3A_135 = tpu.memref_slice %arg9[%dma_wait3A_125, %dma_wait3A_133, %dma_wait3A_134] : memref<6x200x64xf32, #tpu.memory_space<vmem>> -> memref<1x200x64xf32, #tpu.memory_space<vmem>>
    %dma_wait3A_136 = tpu.memref_squeeze %dma_wait3A_135 : memref<1x200x64xf32, #tpu.memory_space<vmem>> -> memref<200x64xf32, #tpu.memory_space<vmem>>
    tpu.wait_dma2 semaphore(%dma_wait3A_132 : memref<!tpu.dma_semaphore, #tpu.memory_space<semaphore_mem>>) src(%arg7 : memref<200x64xf32, #tpu.memory_space<vmem_shared>>) dst(%dma_wait3A_136 : memref<200x64xf32, #tpu.memory_space<vmem>>)
    %dma_start3A_137 = arith.constant 2 : i32
    %dma_start3A_138 = arith.constant 2 : i32
    %dma_start3A_139 = arith.constant 0 : i32
    %dma_start3A_140 = arith.constant 0 : i32
    %dma_start3A_141 = tpu.memref_slice %arg9[%dma_start3A_137, %dma_start3A_139, %dma_start3A_140] : memref<6x200x64xf32, #tpu.memory_space<vmem>> -> memref<1x200x64xf32, #tpu.memory_space<vmem>>
    %dma_start3A_142 = tpu.memref_squeeze %dma_start3A_141 : memref<1x200x64xf32, #tpu.memory_space<vmem>> -> memref<200x64xf32, #tpu.memory_space<vmem>>
    %dma_start3A_143 = arith.constant 400 : i32
    %dma_start3A_144 = tpu.memref_slice %arg8[%dma_start3A_143] : memref<25600xi32, #tpu.memory_space<vmem>> -> memref<200xi32, #tpu.memory_space<vmem>>
    %dma_start3A_145 = arith.constant 0 : i32
    %dma_start3A_146 = arith.constant 0 : i32
    %dma_start3A_147 = tpu.memref_slice %arg3[%dma_start3A_145, %dma_start3A_146] : memref<1000000x64xf32, #tpu.memory_space<hbm>> -> memref<1000000x64xf32, #tpu.memory_space<hbm>>
    %dma_start3A_148 = tpu.memref_slice %arg10[%dma_start3A_138] : memref<6x!tpu.dma_semaphore, #tpu.memory_space<semaphore_mem>> -> memref<1x!tpu.dma_semaphore, #tpu.memory_space<semaphore_mem>>
    %dma_start3A_149 = tpu.memref_squeeze %dma_start3A_148 : memref<1x!tpu.dma_semaphore, #tpu.memory_space<semaphore_mem>> -> memref<!tpu.dma_semaphore, #tpu.memory_space<semaphore_mem>>
    tpu.enqueue_indirect_dma source(%dma_start3A_147 : memref<1000000x64xf32, #tpu.memory_space<hbm>>) target(%dma_start3A_142 : memref<200x64xf32, #tpu.memory_space<vmem>>) offsets(%dma_start3A_144 : memref<200xi32, #tpu.memory_space<vmem>>) semaphore(%dma_start3A_149 : memref<!tpu.dma_semaphore, #tpu.memory_space<semaphore_mem>>) {add = true}
    %dma_wait3A_150 = arith.constant 3 : i32
    %dma_wait3A_151 = arith.constant 3 : i32
    %dma_wait3A_152 = arith.constant 0 : i32
    %dma_wait3A_153 = arith.constant 0 : i32
    %dma_wait3A_154 = tpu.memref_slice %arg9[%dma_wait3A_150, %dma_wait3A_152, %dma_wait3A_153] : memref<6x200x64xf32, #tpu.memory_space<vmem>> -> memref<1x200x64xf32, #tpu.memory_space<vmem>>
    %dma_wait3A_155 = tpu.memref_squeeze %dma_wait3A_154 : memref<1x200x64xf32, #tpu.memory_space<vmem>> -> memref<200x64xf32, #tpu.memory_space<vmem>>
    %dma_wait3A_156 = tpu.memref_slice %arg12[%dma_wait3A_151] : memref<6x!tpu.dma_semaphore, #tpu.memory_space<semaphore_mem>> -> memref<1x!tpu.dma_semaphore, #tpu.memory_space<semaphore_mem>>
    %dma_wait3A_157 = tpu.memref_squeeze %dma_wait3A_156 : memref<1x!tpu.dma_semaphore, #tpu.memory_space<semaphore_mem>> -> memref<!tpu.dma_semaphore, #tpu.memory_space<semaphore_mem>>
    %dma_wait3A_158 = arith.constant 0 : i32
    %dma_wait3A_159 = arith.constant 0 : i32
    %dma_wait3A_160 = tpu.memref_slice %arg9[%dma_wait3A_150, %dma_wait3A_158, %dma_wait3A_159] : memref<6x200x64xf32, #tpu.memory_space<vmem>> -> memref<1x200x64xf32, #tpu.memory_space<vmem>>
    %dma_wait3A_161 = tpu.memref_squeeze %dma_wait3A_160 : memref<1x200x64xf32, #tpu.memory_space<vmem>> -> memref<200x64xf32, #tpu.memory_space<vmem>>
    tpu.wait_dma2 semaphore(%dma_wait3A_157 : memref<!tpu.dma_semaphore, #tpu.memory_space<semaphore_mem>>) src(%arg7 : memref<200x64xf32, #tpu.memory_space<vmem_shared>>) dst(%dma_wait3A_161 : memref<200x64xf32, #tpu.memory_space<vmem>>)
    %dma_start3A_162 = arith.constant 3 : i32
    %dma_start3A_163 = arith.constant 3 : i32
    %dma_start3A_164 = arith.constant 0 : i32
    %dma_start3A_165 = arith.constant 0 : i32
    %dma_start3A_166 = tpu.memref_slice %arg9[%dma_start3A_162, %dma_start3A_164, %dma_start3A_165] : memref<6x200x64xf32, #tpu.memory_space<vmem>> -> memref<1x200x64xf32, #tpu.memory_space<vmem>>
    %dma_start3A_167 = tpu.memref_squeeze %dma_start3A_166 : memref<1x200x64xf32, #tpu.memory_space<vmem>> -> memref<200x64xf32, #tpu.memory_space<vmem>>
    %dma_start3A_168 = arith.constant 600 : i32
    %dma_start3A_169 = tpu.memref_slice %arg8[%dma_start3A_168] : memref<25600xi32, #tpu.memory_space<vmem>> -> memref<200xi32, #tpu.memory_space<vmem>>
    %dma_start3A_170 = arith.constant 0 : i32
    %dma_start3A_171 = arith.constant 0 : i32
    %dma_start3A_172 = tpu.memref_slice %arg3[%dma_start3A_170, %dma_start3A_171] : memref<1000000x64xf32, #tpu.memory_space<hbm>> -> memref<1000000x64xf32, #tpu.memory_space<hbm>>
    %dma_start3A_173 = tpu.memref_slice %arg10[%dma_start3A_163] : memref<6x!tpu.dma_semaphore, #tpu.memory_space<semaphore_mem>> -> memref<1x!tpu.dma_semaphore, #tpu.memory_space<semaphore_mem>>
    %dma_start3A_174 = tpu.memref_squeeze %dma_start3A_173 : memref<1x!tpu.dma_semaphore, #tpu.memory_space<semaphore_mem>> -> memref<!tpu.dma_semaphore, #tpu.memory_space<semaphore_mem>>
    tpu.enqueue_indirect_dma source(%dma_start3A_172 : memref<1000000x64xf32, #tpu.memory_space<hbm>>) target(%dma_start3A_167 : memref<200x64xf32, #tpu.memory_space<vmem>>) offsets(%dma_start3A_169 : memref<200xi32, #tpu.memory_space<vmem>>) semaphore(%dma_start3A_174 : memref<!tpu.dma_semaphore, #tpu.memory_space<semaphore_mem>>) {add = true}
    %scan3A = arith.constant 0 : i32
    %scan3A_175 = arith.constant 0 : i32
    %scan3A_176 = arith.constant 128 : i32
    %scan3A_177 = arith.addi %scan3A_175, %scan3A_176 : i32
    %scan3A_178 = arith.constant 1 : i32
    %scan3A_179 = scf.for %scan3A_199 = %scan3A_175 to %scan3A_177 step %scan3A_178 iter_args(%scan3A_200 = %scan3A) -> (i32)  : i32 {
      %jit3A = arith.constant 6 : i32
      %eq3A_201 = arith.constant 0 : i32
      %eq3A_202 = arith.cmpi eq, %jit3A, %eq3A_201 : i32
      %jit3A_203 = arith.constant 1 : i32
      %select_n3A = arith.select %eq3A_202, %jit3A_203, %jit3A : i32
      %rem3A = arith.remsi %scan3A_199, %select_n3A : i32
      %ne3A = arith.constant 0 : i32
      %ne3A_204 = arith.cmpi ne, %rem3A, %ne3A : i32
      %lt3A = arith.constant 0 : i32
      %lt3A_205 = arith.cmpi slt, %rem3A, %lt3A : i32
      %lt3A_206 = arith.constant 0 : i32
      %lt3A_207 = arith.cmpi slt, %select_n3A, %lt3A_206 : i32
      %ne3A_208 = arith.xori %lt3A_205, %lt3A_207 : i1
      %and3A = arith.andi %ne3A_208, %ne3A_204 : i1
      %add3A_209 = arith.addi %rem3A, %select_n3A : i32
      %select_n3A_210 = arith.select %and3A, %add3A_209, %rem3A : i32
      %dma_wait3A_211 = arith.constant 0 : i32
      %dma_wait3A_212 = arith.constant 0 : i32
      %dma_wait3A_213 = tpu.memref_slice %arg9[%select_n3A_210, %dma_wait3A_211, %dma_wait3A_212] : memref<6x200x64xf32, #tpu.memory_space<vmem>> -> memref<1x200x64xf32, #tpu.memory_space<vmem>>
      %dma_wait3A_214 = tpu.memref_squeeze %dma_wait3A_213 : memref<1x200x64xf32, #tpu.memory_space<vmem>> -> memref<200x64xf32, #tpu.memory_space<vmem>>
      %dma_wait3A_215 = arith.constant 0 : i32
      %dma_wait3A_216 = arith.constant 0 : i32
      %dma_wait3A_217 = tpu.memref_slice %arg3[%dma_wait3A_215, %dma_wait3A_216] : memref<1000000x64xf32, #tpu.memory_space<hbm>> -> memref<200x64xf32, #tpu.memory_space<hbm>>
      %dma_wait3A_218 = tpu.memref_slice %arg10[%select_n3A_210] : memref<6x!tpu.dma_semaphore, #tpu.memory_space<semaphore_mem>> -> memref<1x!tpu.dma_semaphore, #tpu.memory_space<semaphore_mem>>
      %dma_wait3A_219 = tpu.memref_squeeze %dma_wait3A_218 : memref<1x!tpu.dma_semaphore, #tpu.memory_space<semaphore_mem>> -> memref<!tpu.dma_semaphore, #tpu.memory_space<semaphore_mem>>
      %dma_wait3A_220 = arith.constant 0 : i32
      %dma_wait3A_221 = arith.constant 0 : i32
      %dma_wait3A_222 = tpu.memref_slice %arg9[%select_n3A_210, %dma_wait3A_220, %dma_wait3A_221] : memref<6x200x64xf32, #tpu.memory_space<vmem>> -> memref<1x200x64xf32, #tpu.memory_space<vmem>>
      %dma_wait3A_223 = tpu.memref_squeeze %dma_wait3A_222 : memref<1x200x64xf32, #tpu.memory_space<vmem>> -> memref<200x64xf32, #tpu.memory_space<vmem>>
      %dma_wait3A_224 = arith.constant 0 : i32
      %dma_wait3A_225 = arith.constant 0 : i32
      %dma_wait3A_226 = tpu.memref_slice %arg3[%dma_wait3A_224, %dma_wait3A_225] : memref<1000000x64xf32, #tpu.memory_space<hbm>> -> memref<200x64xf32, #tpu.memory_space<hbm>>
      tpu.wait_dma2 semaphore(%dma_wait3A_219 : memref<!tpu.dma_semaphore, #tpu.memory_space<semaphore_mem>>) src(%dma_wait3A_226 : memref<200x64xf32, #tpu.memory_space<hbm>>) dst(%dma_wait3A_223 : memref<200x64xf32, #tpu.memory_space<vmem>>)
      %mul3A_227 = arith.constant 200 : i32
      %mul3A_228 = arith.muli %scan3A_199, %mul3A_227 : i32
      %broadcast_in_dim3A = arith.constant 0 : i32
      %broadcast_in_dim3A_229 = vector.broadcast %broadcast_in_dim3A : i32 to vector<16xi32>
      %scan3A_230 = arith.constant 0 : i32
      %scan3A_231 = arith.constant 12 : i32
      %scan3A_232 = arith.addi %scan3A_230, %scan3A_231 : i32
      %scan3A_233 = arith.constant 1 : i32
      %scan3A_234 = scf.for %scan3A_274 = %scan3A_230 to %scan3A_232 step %scan3A_233 iter_args(%scan3A_275 = %broadcast_in_dim3A_229) -> (vector<16xi32>)  : i32 {
        %mul3A_276 = arith.constant 16 : i32
        %mul3A_277 = arith.muli %scan3A_274, %mul3A_276 : i32
        %add3A_278 = arith.addi %mul3A_228, %mul3A_277 : i32
        %get3A = arith.index_cast %add3A_278 : i32 to index
        %get3A_279 = tpu.vector_load %arg8[%get3A] {strides = array<i32>} : memref<25600xi32, #tpu.memory_space<vmem>>, vector<16xi32>,
        %eq3A_280 = arith.constant 0 : i32
        %eq3A_281 = vector.broadcast %eq3A_280 : i32 to vector<16xi32>
        %eq3A_282 = arith.cmpi eq, %get3A_279, %eq3A_281 : vector<16xi32>
        %jit3A_283 = arith.constant 1 : i32
        %jit3A_284 = arith.constant 0 : i32
        %broadcast_in_dim3A_285 = vector.broadcast %jit3A_283 : i32 to vector<16xi32>
        %broadcast_in_dim3A_286 = vector.broadcast %jit3A_284 : i32 to vector<16xi32>
        %select_n3A_287 = arith.select %eq3A_282, %broadcast_in_dim3A_285, %broadcast_in_dim3A_286 : vector<16xi1>, vector<16xi32>
        %add3A_288 = arith.addi %scan3A_275, %select_n3A_287 : vector<16xi32>
        scf.yield %add3A_288 : vector<16xi32>
      }
      %scan3A_235 = arith.constant 12 : i32
      %reduce_sum3A = arith.constant true
      %reduce_sum3A_236 = vector.broadcast %reduce_sum3A : i1 to vector<16xi1>
      %reduce_sum3A_237 = tpu.scan <sum>, %scan3A_234 masked %reduce_sum3A_236 : vector<16xi32>, vector<16xi1> -> vector<16xi32>
      %reduce_sum3A_238 = vector.extract %reduce_sum3A_237[15] : i32 from vector<16xi32>
      %gt3A = arith.constant 0 : i32
      %gt3A_239 = arith.cmpi sgt, %reduce_sum3A_238, %gt3A : i32
      %convert_element_type3A_240 = arith.extui %gt3A_239 : i1 to i32
      %cond3A_241 = arith.constant 0 : i32
      %cond3A_242 = arith.cmpi ne, %convert_element_type3A_240, %cond3A_241 : i32
      scf.if %cond3A_242 {
        %scan3A_274 = arith.constant 0 : i32
        %scan3A_275 = arith.constant 0 : i32
        %scan3A_276 = arith.constant 200 : i32
        %scan3A_277 = arith.addi %scan3A_275, %scan3A_276 : i32
        %scan3A_278 = arith.constant 1 : i32
        %scan3A_279 = scf.for %scan3A_281 = %scan3A_275 to %scan3A_277 step %scan3A_278 iter_args(%scan3A_282 = %scan3A_274) -> (i32)  : i32 {
          %add3A_283 = arith.addi %mul3A_228, %scan3A_281 : i32
          %broadcast_in_dim3A_284 = vector.broadcast %add3A_283 : i32 to vector<16xi32>
          %gather3A = tpu.vector_load_idx %arg8[%broadcast_in_dim3A_284] : memref<25600xi32, #tpu.memory_space<vmem>>[vector<16xi32>], vector<16xi32>,
          %eq3A_285 = arith.constant 0 : i32
          %eq3A_286 = vector.broadcast %eq3A_285 : i32 to vector<16xi32>
          %eq3A_287 = arith.cmpi eq, %gather3A, %eq3A_286 : vector<16xi32>
          %get3A = arith.index_cast %select_n3A_210 : i32 to index
          %get3A_288 = arith.index_cast %scan3A_281 : i32 to index
          %get3A_289 = arith.constant 0 : index
          %get3A_290 = tpu.vector_load %arg9[%get3A, %get3A_288, %get3A_289] {strides = array<i32>} : memref<6x200x64xf32, #tpu.memory_space<vmem>>, vector<16xf32>,
          %get3A_291 = arith.index_cast %scan3A_281 : i32 to index
          %get3A_292 = arith.constant 0 : index
          %get3A_293 = tpu.vector_load %arg6[%get3A_291, %get3A_292] {strides = array<i32>} : memref<200x64xf32, #tpu.memory_space<vmem>>, vector<16xf32>,
          %select_n3A_294 = arith.select %eq3A_287, %get3A_293, %get3A_290 : vector<16xi1>, vector<16xf32>
          %swap3A = arith.index_cast %select_n3A_210 : i32 to index
          %swap3A_295 = arith.index_cast %scan3A_281 : i32 to index
          %swap3A_296 = arith.constant 0 : index
          %swap3A_297 = tpu.vector_load %arg9[%swap3A, %swap3A_295, %swap3A_296] {strides = array<i32>} : memref<6x200x64xf32, #tpu.memory_space<vmem>>, vector<16xf32>,
          tpu.vector_store %arg9[%swap3A, %swap3A_295, %swap3A_296], %select_n3A_294 {strides = array<i32>} : memref<6x200x64xf32, #tpu.memory_space<vmem>>, vector<16xf32>,
          %get3A_298 = arith.index_cast %select_n3A_210 : i32 to index
          %get3A_299 = arith.index_cast %scan3A_281 : i32 to index
          %get3A_300 = arith.constant 16 : index
          %get3A_301 = tpu.vector_load %arg9[%get3A_298, %get3A_299, %get3A_300] {strides = array<i32>} : memref<6x200x64xf32, #tpu.memory_space<vmem>>, vector<16xf32>,
          %get3A_302 = arith.index_cast %scan3A_281 : i32 to index
          %get3A_303 = arith.constant 16 : index
          %get3A_304 = tpu.vector_load %arg6[%get3A_302, %get3A_303] {strides = array<i32>} : memref<200x64xf32, #tpu.memory_space<vmem>>, vector<16xf32>,
          %select_n3A_305 = arith.select %eq3A_287, %get3A_304, %get3A_301 : vector<16xi1>, vector<16xf32>
          %swap3A_306 = arith.index_cast %select_n3A_210 : i32 to index
          %swap3A_307 = arith.index_cast %scan3A_281 : i32 to index
          %swap3A_308 = arith.constant 16 : index
          %swap3A_309 = tpu.vector_load %arg9[%swap3A_306, %swap3A_307, %swap3A_308] {strides = array<i32>} : memref<6x200x64xf32, #tpu.memory_space<vmem>>, vector<16xf32>,
          tpu.vector_store %arg9[%swap3A_306, %swap3A_307, %swap3A_308], %select_n3A_305 {strides = array<i32>} : memref<6x200x64xf32, #tpu.memory_space<vmem>>, vector<16xf32>,
          %get3A_310 = arith.index_cast %select_n3A_210 : i32 to index
          %get3A_311 = arith.index_cast %scan3A_281 : i32 to index
          %get3A_312 = arith.constant 32 : index
          %get3A_313 = tpu.vector_load %arg9[%get3A_310, %get3A_311, %get3A_312] {strides = array<i32>} : memref<6x200x64xf32, #tpu.memory_space<vmem>>, vector<16xf32>,
          %get3A_314 = arith.index_cast %scan3A_281 : i32 to index
          %get3A_315 = arith.constant 32 : index
          %get3A_316 = tpu.vector_load %arg6[%get3A_314, %get3A_315] {strides = array<i32>} : memref<200x64xf32, #tpu.memory_space<vmem>>, vector<16xf32>,
          %select_n3A_317 = arith.select %eq3A_287, %get3A_316, %get3A_313 : vector<16xi1>, vector<16xf32>
          %swap3A_318 = arith.index_cast %select_n3A_210 : i32 to index
          %swap3A_319 = arith.index_cast %scan3A_281 : i32 to index
          %swap3A_320 = arith.constant 32 : index
          %swap3A_321 = tpu.vector_load %arg9[%swap3A_318, %swap3A_319, %swap3A_320] {strides = array<i32>} : memref<6x200x64xf32, #tpu.memory_space<vmem>>, vector<16xf32>,
          tpu.vector_store %arg9[%swap3A_318, %swap3A_319, %swap3A_320], %select_n3A_317 {strides = array<i32>} : memref<6x200x64xf32, #tpu.memory_space<vmem>>, vector<16xf32>,
          %get3A_322 = arith.index_cast %select_n3A_210 : i32 to index
          %get3A_323 = arith.index_cast %scan3A_281 : i32 to index
          %get3A_324 = arith.constant 48 : index
          %get3A_325 = tpu.vector_load %arg9[%get3A_322, %get3A_323, %get3A_324] {strides = array<i32>} : memref<6x200x64xf32, #tpu.memory_space<vmem>>, vector<16xf32>,
          %get3A_326 = arith.index_cast %scan3A_281 : i32 to index
          %get3A_327 = arith.constant 48 : index
          %get3A_328 = tpu.vector_load %arg6[%get3A_326, %get3A_327] {strides = array<i32>} : memref<200x64xf32, #tpu.memory_space<vmem>>, vector<16xf32>,
          %select_n3A_329 = arith.select %eq3A_287, %get3A_328, %get3A_325 : vector<16xi1>, vector<16xf32>
          %swap3A_330 = arith.index_cast %select_n3A_210 : i32 to index
          %swap3A_331 = arith.index_cast %scan3A_281 : i32 to index
          %swap3A_332 = arith.constant 48 : index
          %swap3A_333 = tpu.vector_load %arg9[%swap3A_330, %swap3A_331, %swap3A_332] {strides = array<i32>} : memref<6x200x64xf32, #tpu.memory_space<vmem>>, vector<16xf32>,
          tpu.vector_store %arg9[%swap3A_330, %swap3A_331, %swap3A_332], %select_n3A_329 {strides = array<i32>} : memref<6x200x64xf32, #tpu.memory_space<vmem>>, vector<16xf32>,
          %scan3A_334 = arith.constant 0 : i32
          scf.yield %scan3A_334 : i32
        }
        %scan3A_280 = arith.constant 200 : i32
      } else {
      }
      %parallel_loop3A = arith.constant 0 : i32
      %parallel_loop3A_243 = arith.constant 200 : i32
      %parallel_loop3A_244 = arith.constant 1 : i32
      scf.for %parallel_loop3A_274 = %parallel_loop3A to %parallel_loop3A_243 step %parallel_loop3A_244  : i32 {
        %parallel_loop3A_275 = arith.index_cast %select_n3A_210 : i32 to index
        %parallel_loop3A_276 = arith.index_cast %parallel_loop3A_274 : i32 to index
        %parallel_loop3A_277 = arith.constant 0 : index
        %parallel_loop3A_278 = tpu.vector_load %arg9[%parallel_loop3A_275, %parallel_loop3A_276, %parallel_loop3A_277] {strides = array<i32>} : memref<6x200x64xf32, #tpu.memory_space<vmem>>, vector<16xf32>,
        %parallel_loop3A_279 = arith.constant 0.707106769 : f32
        %parallel_loop3A_280 = vector.broadcast %parallel_loop3A_279 : f32 to vector<16xf32>
        %parallel_loop3A_281 = arith.mulf %parallel_loop3A_278, %parallel_loop3A_280 : vector<16xf32>
        %parallel_loop3A_282 = arith.index_cast %select_n3A_210 : i32 to index
        %parallel_loop3A_283 = arith.index_cast %parallel_loop3A_274 : i32 to index
        %parallel_loop3A_284 = arith.constant 0 : index
        %parallel_loop3A_285 = tpu.vector_load %arg9[%parallel_loop3A_282, %parallel_loop3A_283, %parallel_loop3A_284] {strides = array<i32>} : memref<6x200x64xf32, #tpu.memory_space<vmem>>, vector<16xf32>,
        tpu.vector_store %arg9[%parallel_loop3A_282, %parallel_loop3A_283, %parallel_loop3A_284], %parallel_loop3A_281 {strides = array<i32>} : memref<6x200x64xf32, #tpu.memory_space<vmem>>, vector<16xf32>,
        %parallel_loop3A_286 = arith.index_cast %select_n3A_210 : i32 to index
        %parallel_loop3A_287 = arith.index_cast %parallel_loop3A_274 : i32 to index
        %parallel_loop3A_288 = arith.constant 16 : index
        %parallel_loop3A_289 = tpu.vector_load %arg9[%parallel_loop3A_286, %parallel_loop3A_287, %parallel_loop3A_288] {strides = array<i32>} : memref<6x200x64xf32, #tpu.memory_space<vmem>>, vector<16xf32>,
        %parallel_loop3A_290 = arith.constant 0.707106769 : f32
        %parallel_loop3A_291 = vector.broadcast %parallel_loop3A_290 : f32 to vector<16xf32>
        %parallel_loop3A_292 = arith.mulf %parallel_loop3A_289, %parallel_loop3A_291 : vector<16xf32>
        %parallel_loop3A_293 = arith.index_cast %select_n3A_210 : i32 to index
        %parallel_loop3A_294 = arith.index_cast %parallel_loop3A_274 : i32 to index
        %parallel_loop3A_295 = arith.constant 16 : index
        %parallel_loop3A_296 = tpu.vector_load %arg9[%parallel_loop3A_293, %parallel_loop3A_294, %parallel_loop3A_295] {strides = array<i32>} : memref<6x200x64xf32, #tpu.memory_space<vmem>>, vector<16xf32>,
        tpu.vector_store %arg9[%parallel_loop3A_293, %parallel_loop3A_294, %parallel_loop3A_295], %parallel_loop3A_292 {strides = array<i32>} : memref<6x200x64xf32, #tpu.memory_space<vmem>>, vector<16xf32>,
        %parallel_loop3A_297 = arith.index_cast %select_n3A_210 : i32 to index
        %parallel_loop3A_298 = arith.index_cast %parallel_loop3A_274 : i32 to index
        %parallel_loop3A_299 = arith.constant 32 : index
        %parallel_loop3A_300 = tpu.vector_load %arg9[%parallel_loop3A_297, %parallel_loop3A_298, %parallel_loop3A_299] {strides = array<i32>} : memref<6x200x64xf32, #tpu.memory_space<vmem>>, vector<16xf32>,
        %parallel_loop3A_301 = arith.constant 0.707106769 : f32
        %parallel_loop3A_302 = vector.broadcast %parallel_loop3A_301 : f32 to vector<16xf32>
        %parallel_loop3A_303 = arith.mulf %parallel_loop3A_300, %parallel_loop3A_302 : vector<16xf32>
        %parallel_loop3A_304 = arith.index_cast %select_n3A_210 : i32 to index
        %parallel_loop3A_305 = arith.index_cast %parallel_loop3A_274 : i32 to index
        %parallel_loop3A_306 = arith.constant 32 : index
        %parallel_loop3A_307 = tpu.vector_load %arg9[%parallel_loop3A_304, %parallel_loop3A_305, %parallel_loop3A_306] {strides = array<i32>} : memref<6x200x64xf32, #tpu.memory_space<vmem>>, vector<16xf32>,
        tpu.vector_store %arg9[%parallel_loop3A_304, %parallel_loop3A_305, %parallel_loop3A_306], %parallel_loop3A_303 {strides = array<i32>} : memref<6x200x64xf32, #tpu.memory_space<vmem>>, vector<16xf32>,
        %parallel_loop3A_308 = arith.index_cast %select_n3A_210 : i32 to index
        %parallel_loop3A_309 = arith.index_cast %parallel_loop3A_274 : i32 to index
        %parallel_loop3A_310 = arith.constant 48 : index
        %parallel_loop3A_311 = tpu.vector_load %arg9[%parallel_loop3A_308, %parallel_loop3A_309, %parallel_loop3A_310] {strides = array<i32>} : memref<6x200x64xf32, #tpu.memory_space<vmem>>, vector<16xf32>,
        %parallel_loop3A_312 = arith.constant 0.707106769 : f32
        %parallel_loop3A_313 = vector.broadcast %parallel_loop3A_312 : f32 to vector<16xf32>
        %parallel_loop3A_314 = arith.mulf %parallel_loop3A_311, %parallel_loop3A_313 : vector<16xf32>
        %parallel_loop3A_315 = arith.index_cast %select_n3A_210 : i32 to index
        %parallel_loop3A_316 = arith.index_cast %parallel_loop3A_274 : i32 to index
        %parallel_loop3A_317 = arith.constant 48 : index
        %parallel_loop3A_318 = tpu.vector_load %arg9[%parallel_loop3A_315, %parallel_loop3A_316, %parallel_loop3A_317] {strides = array<i32>} : memref<6x200x64xf32, #tpu.memory_space<vmem>>, vector<16xf32>,
        tpu.vector_store %arg9[%parallel_loop3A_315, %parallel_loop3A_316, %parallel_loop3A_317], %parallel_loop3A_314 {strides = array<i32>} : memref<6x200x64xf32, #tpu.memory_space<vmem>>, vector<16xf32>,
      } {sc.loop_unroll_factor = 8 : i64, sc.parallel_access}
      %mul3A_245 = arith.constant 200 : i32
      %mul3A_246 = arith.muli %scan3A_199, %mul3A_245 : i32
      %add3A_247 = arith.addi %mul3A_2, %mul3A_246 : i32
      %dma_start3A_248 = arith.constant 0 : i32
      %dma_start3A_249 = arith.constant 0 : i32
      %dma_start3A_250 = tpu.memref_slice %arg9[%select_n3A_210, %dma_start3A_248, %dma_start3A_249] : memref<6x200x64xf32, #tpu.memory_space<vmem>> -> memref<1x200x64xf32, #tpu.memory_space<vmem>>
      %dma_start3A_251 = tpu.memref_squeeze %dma_start3A_250 : memref<1x200x64xf32, #tpu.memory_space<vmem>> -> memref<200x64xf32, #tpu.memory_space<vmem>>
      %dma_start3A_252 = arith.constant 0 : i32
      %dma_start3A_253 = tpu.memref_slice %arg5[%add3A_247, %dma_start3A_252] : memref<819200x64xf32, #tpu.memory_space<hbm>> -> memref<200x64xf32, #tpu.memory_space<hbm>>
      %dma_start3A_254 = tpu.memref_slice %arg11[%select_n3A_210] : memref<6x!tpu.dma_semaphore, #tpu.memory_space<semaphore_mem>> -> memref<1x!tpu.dma_semaphore, #tpu.memory_space<semaphore_mem>>
      %dma_start3A_255 = tpu.memref_squeeze %dma_start3A_254 : memref<1x!tpu.dma_semaphore, #tpu.memory_space<semaphore_mem>> -> memref<!tpu.dma_semaphore, #tpu.memory_space<semaphore_mem>>
      %dma_start3A_256 = arith.constant 0 : i32
      %dma_start3A_257 = tpu.memref_slice %arg5[%add3A_247, %dma_start3A_256] : memref<819200x64xf32, #tpu.memory_space<hbm>> -> memref<200x64xf32, #tpu.memory_space<hbm>>
      %dma_start3A_258 = arith.constant 0 : i32
      %dma_start3A_259 = arith.constant 0 : i32
      %dma_start3A_260 = tpu.memref_slice %arg9[%select_n3A_210, %dma_start3A_258, %dma_start3A_259] : memref<6x200x64xf32, #tpu.memory_space<vmem>> -> memref<1x200x64xf32, #tpu.memory_space<vmem>>
      %dma_start3A_261 = tpu.memref_squeeze %dma_start3A_260 : memref<1x200x64xf32, #tpu.memory_space<vmem>> -> memref<200x64xf32, #tpu.memory_space<vmem>>
      tpu.enqueue_dma source(%dma_start3A_261 : memref<200x64xf32, #tpu.memory_space<vmem>>) target(%dma_start3A_257 : memref<200x64xf32, #tpu.memory_space<hbm>>) target_semaphore(%dma_start3A_255 : memref<!tpu.dma_semaphore, #tpu.memory_space<semaphore_mem>>)
      %ge3A = arith.constant 1 : i32
      %ge3A_262 = arith.cmpi sge, %scan3A_199, %ge3A : i32
      %convert_element_type3A_263 = arith.extui %ge3A_262 : i1 to i32
      %cond3A_264 = arith.constant 0 : i32
      %cond3A_265 = arith.cmpi ne, %convert_element_type3A_263, %cond3A_264 : i32
      scf.if %cond3A_265 {
        %sub3A = arith.constant 1 : i32
        %sub3A_274 = arith.subi %scan3A_199, %sub3A : i32
        %jit3A_275 = arith.constant 6 : i32
        %eq3A_276 = arith.constant 0 : i32
        %eq3A_277 = arith.cmpi eq, %jit3A_275, %eq3A_276 : i32
        %jit3A_278 = arith.constant 1 : i32
        %select_n3A_279 = arith.select %eq3A_277, %jit3A_278, %jit3A_275 : i32
        %rem3A_280 = arith.remsi %sub3A_274, %select_n3A_279 : i32
        %ne3A_281 = arith.constant 0 : i32
        %ne3A_282 = arith.cmpi ne, %rem3A_280, %ne3A_281 : i32
        %lt3A_283 = arith.constant 0 : i32
        %lt3A_284 = arith.cmpi slt, %rem3A_280, %lt3A_283 : i32
        %lt3A_285 = arith.constant 0 : i32
        %lt3A_286 = arith.cmpi slt, %select_n3A_279, %lt3A_285 : i32
        %ne3A_287 = arith.xori %lt3A_284, %lt3A_286 : i1
        %and3A_288 = arith.andi %ne3A_287, %ne3A_282 : i1
        %add3A_289 = arith.addi %rem3A_280, %select_n3A_279 : i32
        %select_n3A_290 = arith.select %and3A_288, %add3A_289, %rem3A_280 : i32
        %dma_wait3A_291 = arith.constant 0 : i32
        %dma_wait3A_292 = arith.constant 0 : i32
        %dma_wait3A_293 = tpu.memref_slice %arg9[%select_n3A_290, %dma_wait3A_291, %dma_wait3A_292] : memref<6x200x64xf32, #tpu.memory_space<vmem>> -> memref<1x200x64xf32, #tpu.memory_space<vmem>>
        %dma_wait3A_294 = tpu.memref_squeeze %dma_wait3A_293 : memref<1x200x64xf32, #tpu.memory_space<vmem>> -> memref<200x64xf32, #tpu.memory_space<vmem>>
        %dma_wait3A_295 = arith.constant 0 : i32
        %dma_wait3A_296 = arith.constant 0 : i32
        %dma_wait3A_297 = tpu.memref_slice %arg5[%dma_wait3A_295, %dma_wait3A_296] : memref<819200x64xf32, #tpu.memory_space<hbm>> -> memref<200x64xf32, #tpu.memory_space<hbm>>
        %dma_wait3A_298 = tpu.memref_slice %arg11[%select_n3A_290] : memref<6x!tpu.dma_semaphore, #tpu.memory_space<semaphore_mem>> -> memref<1x!tpu.dma_semaphore, #tpu.memory_space<semaphore_mem>>
        %dma_wait3A_299 = tpu.memref_squeeze %dma_wait3A_298 : memref<1x!tpu.dma_semaphore, #tpu.memory_space<semaphore_mem>> -> memref<!tpu.dma_semaphore, #tpu.memory_space<semaphore_mem>>
        %dma_wait3A_300 = arith.constant 0 : i32
        %dma_wait3A_301 = arith.constant 0 : i32
        %dma_wait3A_302 = tpu.memref_slice %arg5[%dma_wait3A_300, %dma_wait3A_301] : memref<819200x64xf32, #tpu.memory_space<hbm>> -> memref<200x64xf32, #tpu.memory_space<hbm>>
        %dma_wait3A_303 = arith.constant 0 : i32
        %dma_wait3A_304 = arith.constant 0 : i32
        %dma_wait3A_305 = tpu.memref_slice %arg9[%select_n3A_290, %dma_wait3A_303, %dma_wait3A_304] : memref<6x200x64xf32, #tpu.memory_space<vmem>> -> memref<1x200x64xf32, #tpu.memory_space<vmem>>
        %dma_wait3A_306 = tpu.memref_squeeze %dma_wait3A_305 : memref<1x200x64xf32, #tpu.memory_space<vmem>> -> memref<200x64xf32, #tpu.memory_space<vmem>>
        tpu.wait_dma2 semaphore(%dma_wait3A_299 : memref<!tpu.dma_semaphore, #tpu.memory_space<semaphore_mem>>) src(%dma_wait3A_306 : memref<200x64xf32, #tpu.memory_space<vmem>>) dst(%dma_wait3A_302 : memref<200x64xf32, #tpu.memory_space<hbm>>)
        %lt3A_307 = arith.constant 123 : i32
        %lt3A_308 = arith.cmpi slt, %scan3A_199, %lt3A_307 : i32
        %convert_element_type3A_309 = arith.extui %lt3A_308 : i1 to i32
        %cond3A_310 = arith.constant 0 : i32
        %cond3A_311 = arith.cmpi ne, %convert_element_type3A_309, %cond3A_310 : i32
        scf.if %cond3A_311 {
          %sub3A_312 = arith.constant 1 : i32
          %sub3A_313 = arith.subi %scan3A_199, %sub3A_312 : i32
          %jit3A_314 = arith.constant 6 : i32
          %eq3A_315 = arith.constant 0 : i32
          %eq3A_316 = arith.cmpi eq, %jit3A_314, %eq3A_315 : i32
          %jit3A_317 = arith.constant 1 : i32
          %select_n3A_318 = arith.select %eq3A_316, %jit3A_317, %jit3A_314 : i32
          %rem3A_319 = arith.remsi %sub3A_313, %select_n3A_318 : i32
          %ne3A_320 = arith.constant 0 : i32
          %ne3A_321 = arith.cmpi ne, %rem3A_319, %ne3A_320 : i32
          %lt3A_322 = arith.constant 0 : i32
          %lt3A_323 = arith.cmpi slt, %rem3A_319, %lt3A_322 : i32
          %lt3A_324 = arith.constant 0 : i32
          %lt3A_325 = arith.cmpi slt, %select_n3A_318, %lt3A_324 : i32
          %ne3A_326 = arith.xori %lt3A_323, %lt3A_325 : i1
          %and3A_327 = arith.andi %ne3A_326, %ne3A_321 : i1
          %add3A_328 = arith.addi %rem3A_319, %select_n3A_318 : i32
          %select_n3A_329 = arith.select %and3A_327, %add3A_328, %rem3A_319 : i32
          %dma_start3A_330 = arith.constant 0 : i32
          %dma_start3A_331 = arith.constant 0 : i32
          %dma_start3A_332 = tpu.memref_slice %arg9[%select_n3A_329, %dma_start3A_330, %dma_start3A_331] : memref<6x200x64xf32, #tpu.memory_space<vmem>> -> memref<1x200x64xf32, #tpu.memory_space<vmem>>
          %dma_start3A_333 = tpu.memref_squeeze %dma_start3A_332 : memref<1x200x64xf32, #tpu.memory_space<vmem>> -> memref<200x64xf32, #tpu.memory_space<vmem>>
          %dma_start3A_334 = tpu.memref_slice %arg12[%select_n3A_329] : memref<6x!tpu.dma_semaphore, #tpu.memory_space<semaphore_mem>> -> memref<1x!tpu.dma_semaphore, #tpu.memory_space<semaphore_mem>>
          %dma_start3A_335 = tpu.memref_squeeze %dma_start3A_334 : memref<1x!tpu.dma_semaphore, #tpu.memory_space<semaphore_mem>> -> memref<!tpu.dma_semaphore, #tpu.memory_space<semaphore_mem>>
          %dma_start3A_336 = arith.constant 0 : i32
          %dma_start3A_337 = arith.constant 0 : i32
          %dma_start3A_338 = tpu.memref_slice %arg9[%select_n3A_329, %dma_start3A_336, %dma_start3A_337] : memref<6x200x64xf32, #tpu.memory_space<vmem>> -> memref<1x200x64xf32, #tpu.memory_space<vmem>>
          %dma_start3A_339 = tpu.memref_squeeze %dma_start3A_338 : memref<1x200x64xf32, #tpu.memory_space<vmem>> -> memref<200x64xf32, #tpu.memory_space<vmem>>
          tpu.enqueue_dma source(%arg7 : memref<200x64xf32, #tpu.memory_space<vmem_shared>>) target(%dma_start3A_339 : memref<200x64xf32, #tpu.memory_space<vmem>>) target_semaphore(%dma_start3A_335 : memref<!tpu.dma_semaphore, #tpu.memory_space<semaphore_mem>>)
        } else {
        }
      } else {
      }
      %add3A_266 = arith.constant 4 : i32
      %add3A_267 = arith.addi %scan3A_199, %add3A_266 : i32
      %lt3A_268 = arith.constant 128 : i32
      %lt3A_269 = arith.cmpi slt, %add3A_267, %lt3A_268 : i32
      %convert_element_type3A_270 = arith.extui %lt3A_269 : i1 to i32
      %cond3A_271 = arith.constant 0 : i32
      %cond3A_272 = arith.cmpi ne, %convert_element_type3A_270, %cond3A_271 : i32
      scf.if %cond3A_272 {
        %sub3A = arith.constant 2 : i32
        %sub3A_274 = arith.subi %scan3A_199, %sub3A : i32
        %jit3A_275 = arith.constant 6 : i32
        %eq3A_276 = arith.constant 0 : i32
        %eq3A_277 = arith.cmpi eq, %jit3A_275, %eq3A_276 : i32
        %jit3A_278 = arith.constant 1 : i32
        %select_n3A_279 = arith.select %eq3A_277, %jit3A_278, %jit3A_275 : i32
        %rem3A_280 = arith.remsi %sub3A_274, %select_n3A_279 : i32
        %ne3A_281 = arith.constant 0 : i32
        %ne3A_282 = arith.cmpi ne, %rem3A_280, %ne3A_281 : i32
        %lt3A_283 = arith.constant 0 : i32
        %lt3A_284 = arith.cmpi slt, %rem3A_280, %lt3A_283 : i32
        %lt3A_285 = arith.constant 0 : i32
        %lt3A_286 = arith.cmpi slt, %select_n3A_279, %lt3A_285 : i32
        %ne3A_287 = arith.xori %lt3A_284, %lt3A_286 : i1
        %and3A_288 = arith.andi %ne3A_287, %ne3A_282 : i1
        %add3A_289 = arith.addi %rem3A_280, %select_n3A_279 : i32
        %select_n3A_290 = arith.select %and3A_288, %add3A_289, %rem3A_280 : i32
        %dma_wait3A_291 = arith.constant 0 : i32
        %dma_wait3A_292 = arith.constant 0 : i32
        %dma_wait3A_293 = tpu.memref_slice %arg9[%select_n3A_290, %dma_wait3A_291, %dma_wait3A_292] : memref<6x200x64xf32, #tpu.memory_space<vmem>> -> memref<1x200x64xf32, #tpu.memory_space<vmem>>
        %dma_wait3A_294 = tpu.memref_squeeze %dma_wait3A_293 : memref<1x200x64xf32, #tpu.memory_space<vmem>> -> memref<200x64xf32, #tpu.memory_space<vmem>>
        %dma_wait3A_295 = tpu.memref_slice %arg12[%select_n3A_290] : memref<6x!tpu.dma_semaphore, #tpu.memory_space<semaphore_mem>> -> memref<1x!tpu.dma_semaphore, #tpu.memory_space<semaphore_mem>>
        %dma_wait3A_296 = tpu.memref_squeeze %dma_wait3A_295 : memref<1x!tpu.dma_semaphore, #tpu.memory_space<semaphore_mem>> -> memref<!tpu.dma_semaphore, #tpu.memory_space<semaphore_mem>>
        %dma_wait3A_297 = arith.constant 0 : i32
        %dma_wait3A_298 = arith.constant 0 : i32
        %dma_wait3A_299 = tpu.memref_slice %arg9[%select_n3A_290, %dma_wait3A_297, %dma_wait3A_298] : memref<6x200x64xf32, #tpu.memory_space<vmem>> -> memref<1x200x64xf32, #tpu.memory_space<vmem>>
        %dma_wait3A_300 = tpu.memref_squeeze %dma_wait3A_299 : memref<1x200x64xf32, #tpu.memory_space<vmem>> -> memref<200x64xf32, #tpu.memory_space<vmem>>
        tpu.wait_dma2 semaphore(%dma_wait3A_296 : memref<!tpu.dma_semaphore, #tpu.memory_space<semaphore_mem>>) src(%arg7 : memref<200x64xf32, #tpu.memory_space<vmem_shared>>) dst(%dma_wait3A_300 : memref<200x64xf32, #tpu.memory_space<vmem>>)
        %add3A_301 = arith.constant 4 : i32
        %add3A_302 = arith.addi %scan3A_199, %add3A_301 : i32
        %sub3A_303 = arith.constant 2 : i32
        %sub3A_304 = arith.subi %scan3A_199, %sub3A_303 : i32
        %jit3A_305 = arith.constant 6 : i32
        %eq3A_306 = arith.constant 0 : i32
        %eq3A_307 = arith.cmpi eq, %jit3A_305, %eq3A_306 : i32
        %jit3A_308 = arith.constant 1 : i32
        %select_n3A_309 = arith.select %eq3A_307, %jit3A_308, %jit3A_305 : i32
        %rem3A_310 = arith.remsi %sub3A_304, %select_n3A_309 : i32
        %ne3A_311 = arith.constant 0 : i32
        %ne3A_312 = arith.cmpi ne, %rem3A_310, %ne3A_311 : i32
        %lt3A_313 = arith.constant 0 : i32
        %lt3A_314 = arith.cmpi slt, %rem3A_310, %lt3A_313 : i32
        %lt3A_315 = arith.constant 0 : i32
        %lt3A_316 = arith.cmpi slt, %select_n3A_309, %lt3A_315 : i32
        %ne3A_317 = arith.xori %lt3A_314, %lt3A_316 : i1
        %and3A_318 = arith.andi %ne3A_317, %ne3A_312 : i1
        %add3A_319 = arith.addi %rem3A_310, %select_n3A_309 : i32
        %select_n3A_320 = arith.select %and3A_318, %add3A_319, %rem3A_310 : i32
        %mul3A_321 = arith.constant 200 : i32
        %mul3A_322 = arith.muli %add3A_302, %mul3A_321 : i32
        %dma_start3A_323 = arith.constant 0 : i32
        %dma_start3A_324 = arith.constant 0 : i32
        %dma_start3A_325 = tpu.memref_slice %arg9[%select_n3A_320, %dma_start3A_323, %dma_start3A_324] : memref<6x200x64xf32, #tpu.memory_space<vmem>> -> memref<1x200x64xf32, #tpu.memory_space<vmem>>
        %dma_start3A_326 = tpu.memref_squeeze %dma_start3A_325 : memref<1x200x64xf32, #tpu.memory_space<vmem>> -> memref<200x64xf32, #tpu.memory_space<vmem>>
        %dma_start3A_327 = tpu.memref_slice %arg8[%mul3A_322] : memref<25600xi32, #tpu.memory_space<vmem>> -> memref<200xi32, #tpu.memory_space<vmem>>
        %dma_start3A_328 = arith.constant 0 : i32
        %dma_start3A_329 = arith.constant 0 : i32
        %dma_start3A_330 = tpu.memref_slice %arg3[%dma_start3A_328, %dma_start3A_329] : memref<1000000x64xf32, #tpu.memory_space<hbm>> -> memref<1000000x64xf32, #tpu.memory_space<hbm>>
        %dma_start3A_331 = tpu.memref_slice %arg10[%select_n3A_320] : memref<6x!tpu.dma_semaphore, #tpu.memory_space<semaphore_mem>> -> memref<1x!tpu.dma_semaphore, #tpu.memory_space<semaphore_mem>>
        %dma_start3A_332 = tpu.memref_squeeze %dma_start3A_331 : memref<1x!tpu.dma_semaphore, #tpu.memory_space<semaphore_mem>> -> memref<!tpu.dma_semaphore, #tpu.memory_space<semaphore_mem>>
        tpu.enqueue_indirect_dma source(%dma_start3A_330 : memref<1000000x64xf32, #tpu.memory_space<hbm>>) target(%dma_start3A_326 : memref<200x64xf32, #tpu.memory_space<vmem>>) offsets(%dma_start3A_327 : memref<200xi32, #tpu.memory_space<vmem>>) semaphore(%dma_start3A_332 : memref<!tpu.dma_semaphore, #tpu.memory_space<semaphore_mem>>) {add = true}
      } else {
      }
      %scan3A_273 = arith.constant 0 : i32
      scf.yield %scan3A_273 : i32
    }
    %scan3A_180 = arith.constant 128 : i32
    %dma_wait3A_181 = arith.constant 1 : i32
    %dma_wait3A_182 = arith.constant 1 : i32
    %dma_wait3A_183 = arith.constant 0 : i32
    %dma_wait3A_184 = arith.constant 0 : i32
    %dma_wait3A_185 = tpu.memref_slice %arg9[%dma_wait3A_181, %dma_wait3A_183, %dma_wait3A_184] : memref<6x200x64xf32, #tpu.memory_space<vmem>> -> memref<1x200x64xf32, #tpu.memory_space<vmem>>
    %dma_wait3A_186 = tpu.memref_squeeze %dma_wait3A_185 : memref<1x200x64xf32, #tpu.memory_space<vmem>> -> memref<200x64xf32, #tpu.memory_space<vmem>>
    %dma_wait3A_187 = arith.constant 0 : i32
    %dma_wait3A_188 = arith.constant 0 : i32
    %dma_wait3A_189 = tpu.memref_slice %arg5[%dma_wait3A_187, %dma_wait3A_188] : memref<819200x64xf32, #tpu.memory_space<hbm>> -> memref<200x64xf32, #tpu.memory_space<hbm>>
    %dma_wait3A_190 = tpu.memref_slice %arg11[%dma_wait3A_182] : memref<6x!tpu.dma_semaphore, #tpu.memory_space<semaphore_mem>> -> memref<1x!tpu.dma_semaphore, #tpu.memory_space<semaphore_mem>>
    %dma_wait3A_191 = tpu.memref_squeeze %dma_wait3A_190 : memref<1x!tpu.dma_semaphore, #tpu.memory_space<semaphore_mem>> -> memref<!tpu.dma_semaphore, #tpu.memory_space<semaphore_mem>>
    %dma_wait3A_192 = arith.constant 0 : i32
    %dma_wait3A_193 = arith.constant 0 : i32
    %dma_wait3A_194 = tpu.memref_slice %arg5[%dma_wait3A_192, %dma_wait3A_193] : memref<819200x64xf32, #tpu.memory_space<hbm>> -> memref<200x64xf32, #tpu.memory_space<hbm>>
    %dma_wait3A_195 = arith.constant 0 : i32
    %dma_wait3A_196 = arith.constant 0 : i32
    %dma_wait3A_197 = tpu.memref_slice %arg9[%dma_wait3A_181, %dma_wait3A_195, %dma_wait3A_196] : memref<6x200x64xf32, #tpu.memory_space<vmem>> -> memref<1x200x64xf32, #tpu.memory_space<vmem>>
    %dma_wait3A_198 = tpu.memref_squeeze %dma_wait3A_197 : memref<1x200x64xf32, #tpu.memory_space<vmem>> -> memref<200x64xf32, #tpu.memory_space<vmem>>
    tpu.wait_dma2 semaphore(%dma_wait3A_191 : memref<!tpu.dma_semaphore, #tpu.memory_space<semaphore_mem>>) src(%dma_wait3A_198 : memref<200x64xf32, #tpu.memory_space<vmem>>) dst(%dma_wait3A_194 : memref<200x64xf32, #tpu.memory_space<hbm>>)
    return
  }
}

</mosaic_0001>

<sc_bundles>
// kernel: kernel.3.cloned.1.call-start
scs
__scs_entry_jumppad:
0x0: {  	(pc) =	sbr.rel $0x88, $3  }
0x1: {  	(tag) =	ssettag $0x0;
	lr =	simm.s32 $0x1  }
0x2: {  	[smem:$0x3F9E] =	sst lr;
	_ =	strace $0xD0000000  }
0x3: {  	_ = 	snop  }
0x4: {  	_ = 	snop  }
0x5: {  	_ = 	snop  }
0x6: {  	_ = 	snop  }
0x7: {  	_ = 	snop  }
__scs_overlays_trampoline_lowered:
0x8: {  	[smem:$0x3FAD] =	sst s0  }
0x9: {  	[smem:$0x3FAE] =	sst s1  }
0xa: {  	[smem:$0x3FAF] =	sst s2  }
0xb: {  	[smem:$0x3FB0] =	sst s3  }
0xc: {  	[smem:$0x3FB1] =	sst s4  }
0xd: {  	[smem:$0x3FB2] =	sst s5  }
0xe: {  	[smem:$0x3FB3] =	sst s6  }
0xf: {  	[smem:$0x3FB4] =	sst s7  }
0x10: {  	[smem:$0x3FB5] =	sst s8  }
0x11: {  	[smem:$0x3FB6] =	sst s9;
	s0 =	simm.s32 @!p0 $0x0  }
0x12: {  	s1 =	sld [smem:$0x3F9C];
	s0 =	simm.s32 @p0 $0x1  }
0x13: {  	[smem:$0x3FB7] =	sst s0;
	s0 =	simm.s32 @!p1 $0x0  }
0x14: {  	s2 =	sld [smem:$0x3F9B];
	s0 =	simm.s32 @p1 $0x1  }
0x15: {  	[smem:$0x3FB8] =	sst s0;
	s0 =	simm.s32 @!p2 $0x0  }
0x16: {  	s3 =	sld [smem:$0x3FDB];
	s0 =	simm.s32 @p2 $0x1  }
0x17: {  	s4 =	simm.s32 $0x1BF5;
	[smem:$0x3FBA] =	sst s0  }
0x18: {  	s0 =	sld [smem:$0x3F9D];
	_ =	swait.ge [sflag:s4], $0x0  }
0x19: {  	s7 =	sld [smem:$0x3F9E]  }
0x1a: {  	s8 =	sadd.s32 $0xFFFFE003, lr  }
0x1b: {  	s9 =	sadd.s32 $0xFFFFFEF7, lr;
	s5 =	simm.s32 $0xFFFFFFFF;
	p2 =	slt.u32 s8, $0xFFFFF086  }
0x1c: {  	p1 =	slt.u32 s9, $0xF7A;
	s5 =	simm.s32 @!p2 $0x0  }
0x1d: {  	s5 =	simm.s32 @p1 $0x1;
	p0 =	seq.s32 s7, s2  }
0x1e: {  	s7 =	smul.u32 @!p0 $0xF7A, s2;
	p2 =	seq.s32 @!p0 s5, $0x0  }
0x1f: {  	s9 =	smul.u32 $0xF7A, s1;
	s8 =	simm.s32 @!p0 $0x1BF5;
	p2 =	por !p2, p0  }
0x20: {  	[sflag:s8] =	ssyncset.s32 @!p0 $0xFFFFF086;
	s6 =	sadd.s32 @!p0 s3, s7;
	s7 =	simm.s32 @!p0 $0x108  }
0x21: {  	s3 =	sadd.s32 s3, s9;
	s6 =	sadd.s32 @!p0 $0x88, s6;
	s7 =	simm.s32 @p2 $0x1082  }
0x22: {  	[simem:s7], [sflag:s8] =	dma.local @!p0 [hbm:s6], $0xF7A  }
0x23: {  	s9 =	sor.u32 $0xD0000000, s2;
	s6 =	simm.s32 $0x108;
	_ =	swait.ge @!p0 [sflag:s8], $0x0  }
0x24: {  	s3 =	sadd.s32 $0x88, s3;
	s6 =	simm.s32 @!p1 $0x1082;
	[sflag:s4] =	ssyncset.s32 $0xFFFFF086  }
0x25: {  	[simem:s6], [sflag:s4] =	dma.local [hbm:s3], $0xF7A  }
0x26: {  	[smem:$0x3F9E] =	sst s1;
	(tag) =	ssettag s2;
	_ =	strace s9  }
0x27: {  	s1 =	sld [smem:$0x3FAE]  }
0x28: {  	s2 =	sld [smem:$0x3FAF]  }
0x29: {  	s4 =	sld [smem:$0x3FB1]  }
0x2a: {  	p0 =	seq.s32 s5, $0x0;
	s5 =	sld [smem:$0x3FB2]  }
0x2b: {  	s6 =	sld [smem:$0x3FB3]  }
0x2c: {  	s7 =	sld [smem:$0x3FB4]  }
0x2d: {  	s3 =	simm.s32 $0x108;
	s8 =	sld [smem:$0x3FB5]  }
0x2e: {  	s3 =	simm.s32 @!p0 $0x1082;
	s9 =	sld [smem:$0x3FB6]  }
0x2f: {  	lr =	sadd.s32 s0, s3;
	s0 =	sld [smem:$0x3FAD]  }
0x30: {  	s3 =	sld [smem:$0x3FB0]  }
0x31: {  	[smem:$0x3FB9] =	sst s10  }
0x32: {  	s10 =	sld [smem:$0x3FB7];
	_ =	sdelay $0x3  }
0x33: {  	p0 =	seq.s32 s10, $0x1;
	s10 =	sld [smem:$0x3FB9];
	_ =	sdelay $0x3  }
0x34: {  	[smem:$0x3FB9] =	sst s10  }
0x35: {  	s10 =	sld [smem:$0x3FB8];
	_ =	sdelay $0x3  }
0x36: {  	p1 =	seq.s32 s10, $0x1;
	s10 =	sld [smem:$0x3FB9];
	_ =	sdelay $0x3  }
0x37: {  	[smem:$0x3FB9] =	sst s10  }
0x38: {  	s10 =	sld [smem:$0x3FBA]  }
0x39: {  	_ = 	snop;
	(pc) =	sbr.ind lr, $3  }
0x3a: {  	_ = 	snop  }
0x3b: {  	_ = 	snop  }
0x3c: {  	p2 =	seq.s32 s10, $0x1;
	s10 =	sld [smem:$0x3FB9]  }
0x3d: {  	_ =	shalt  }
0x3e: {  	_ =	shalt  }
0x3f: {  	_ =	shalt  }
0x40: {  	_ =	shalt  }
0x41: {  	_ =	shalt  }
0x42: {  	_ =	shalt  }
0x43: {  	_ =	shalt  }
0x44: {  	_ =	shalt  }
0x45: {  	_ =	shalt  }
0x46: {  	_ =	shalt  }
0x47: {  	_ =	shalt  }
0x48: {  	_ =	shalt  }
0x49: {  	_ =	shalt  }
0x4a: {  	_ =	shalt  }
0x4b: {  	_ =	shalt  }
0x4c: {  	_ =	shalt  }
0x4d: {  	_ =	shalt  }
0x4e: {  	_ =	shalt  }
0x4f: {  	_ =	shalt  }
0x50: {  	_ =	shalt  }
0x51: {  	_ =	shalt  }
0x52: {  	_ =	shalt  }
0x53: {  	_ =	shalt  }
0x54: {  	_ =	shalt  }
0x55: {  	_ =	shalt  }
0x56: {  	_ =	shalt  }
0x57: {  	_ =	shalt  }
0x58: {  	_ =	shalt  }
0x59: {  	_ =	shalt  }
0x5a: {  	_ =	shalt  }
0x5b: {  	_ =	shalt  }
0x5c: {  	_ =	shalt  }
0x5d: {  	_ =	shalt  }
0x5e: {  	_ =	shalt  }
0x5f: {  	_ =	shalt  }
0x60: {  	_ =	shalt  }
0x61: {  	_ =	shalt  }
0x62: {  	_ =	shalt  }
0x63: {  	_ =	shalt  }
0x64: {  	_ =	shalt  }
0x65: {  	_ =	shalt  }
0x66: {  	_ =	shalt  }
0x67: {  	_ =	shalt  }
0x68: {  	_ =	shalt  }
0x69: {  	_ =	shalt  }
0x6a: {  	_ =	shalt  }
0x6b: {  	_ =	shalt  }
0x6c: {  	_ =	shalt  }
0x6d: {  	_ =	shalt  }
0x6e: {  	_ =	shalt  }
0x6f: {  	_ =	shalt  }
0x70: {  	_ =	shalt  }
0x71: {  	_ =	shalt  }
0x72: {  	_ =	shalt  }
0x73: {  	_ =	shalt  }
0x74: {  	_ =	shalt  }
0x75: {  	_ =	shalt  }
0x76: {  	_ =	shalt  }
0x77: {  	_ =	shalt  }
0x78: {  	_ =	shalt  }
0x79: {  	_ =	shalt  }
0x7a: {  	_ =	shalt  }
0x7b: {  	_ =	shalt  }
0x7c: {  	_ =	shalt  }
0x7d: {  	_ =	shalt  }
0x7e: {  	_ =	shalt  }
0x7f: {  	_ =	shalt  }
0x80: {  	_ =	shalt  }
0x81: {  	_ =	shalt  }
0x82: {  	_ =	shalt  }
0x83: {  	_ =	shalt  }
0x84: {  	_ =	shalt  }
0x85: {  	_ =	shalt  }
0x86: {  	_ =	shalt  }
0x87: {  	_ =	shalt  }
.Lfunc_end0:
.L_simem_size_0:
called_computation.1_lowered:
.L_overlay_start_0:
0x88: {  	s2 =	sld [smem:$0x3FD9]  }
0x89: {  	s3 =	sld [smem:$0x3FFE];
	_ =	sdelay $0x1  }
0x8a: {  	s1 =	srdreg.scid  }
0x8b: {  	s0 =	sand.u32 $0x1, s1  }
0x8c: {  	s17 =	sshll.u32 s0, $0xA;
	s2 =	sadd.s32 s3, s2  }
0x8d: {  	s2 =	sadd.s32 s2, s17  }
0x8e: {  	[smem:$0x3FC5] =	sst s2  }
0x8f: {  	_ = 	snop  }
0x90: {  	s2 =	sld [smem:$0x3FD0];
	(tm) =	ssettm $0x1  }
0x91: {  	s18 =	sld [smem:$0x3FFB];
	_ =	sdelay $0x3  }
0x92: {  	_ =	strace s18  }
0x93: {  	s3 =	sld [smem:$0x3FFC];
	_ =	sdelay $0x3  }
0x94: {  	_ =	strace s3  }
0x95: {  	s3 =	sld [smem:$0x3FFD];
	_ =	sdelay $0x3  }
0x96: {  	_ =	strace s3  }
0x97: {  	_ =	strace $0x8FFFFFFF  }
0x98: {  	s19 =	sld [smem:$0x3FDB];
	_ =	sdelay $0x1  }
0x99: {  	s4 =	simm.s32 $_scs_section_size  }
0x9a: {  	s5 =	simm.s32 $_size__tile_overlayer_lowered;
	s6 =	simm.s32 $_tile_overlayer_lowered  }
0x9b: {  	s22 =	simm.s32 $0x1BFF;
	s21 =	sshll.u32 s6, $0x1;
	s3 =	sadd.s32 s4, s19  }
0x9c: {  	s7 =	simm.s32 $0x0;
	s20 =	sshll.u32 s5, $0x1;
	s5 =	sadd.s32 s21, s3  }
0x9d: {  	[timem:s7], [sflag:s22] =	dma.local [hbm:s5], s20  }
0x9e: {  	_ =	swait.ge [sflag:s22], s20  }
0x9f: {  	s4 =	ssub.s32 $0x0, s20;
	[sflag:s22] =	ssyncset.done $0x0  }
0xa0: {  	[sflag:s22] =	ssyncadd.s32 s4;
	_ =	sdelay $0x1  }
0xa1: {  	s23 =	simm.s32 $0x1B8B  }
0xa2: {  	_ =	swait.ge [sflag:s23], $0x1  }
0xa3: {  	[sflag:s23] =	ssyncset.done $0x0  }
0xa4: {  	s25 =	simm.s32 $0x1B8E;
	s24 =	sld [smem:$0x3FFE];
	[sflag:s23] =	ssyncadd.s32 $0xFFFFFFFF  }
0xa5: {  	s26 =	simm.s32 $execute0_lowered;
	[smem:$0x3FD2] =	sst s25  }
0xa6: {  	s5 =	sshll.u32 s26, $0x1;
	_ =	strace $0x80000046;
	[dreg:$0x1] =	wrdreg $0xFFFFFFFF  }
0xa7: {  	s28 =	simm.s32 $_size_execute0_lowered;
	s3 =	sadd.s32 s3, s5;
	[dreg:$0x0] =	wrdreg $0x0  }
0xa8: {  	s5 =	sshll.u32 s28, $0x1;
	[dreg:$0x2] =	wrdreg s3  }
0xa9: {  	[dreg:$0x3] =	wrdreg s5  }
0xaa: {  	[dreg:$0x4] =	wrdreg $0xC0  }
0xab: {  	_ =	task [dreg:s7], $0x5FFFF  }
0xac: {  	[dreg:$0x1] =	wrdreg $0xFFFFFFFF  }
0xad: {  	[dreg:$0x0] =	wrdreg $0x60  }
0xae: {  	[dreg:$0x2] =	wrdreg s24  }
0xaf: {  	[dreg:$0x3] =	wrdreg s2  }
0xb0: {  	[dreg:$0x4] =	wrdreg $0x32000  }
0xb1: {  	[dreg:$0x5] =	wrdreg $0x9  }
0xb2: {  	_ =	task.clear_ibuf [dreg:s7], $0x6FFFF;
	_ =	strace $0x90000046  }
0xb3: {  	s29 =	simm.s32 $0x9;
	_ =	strace $0x80000048  }
0xb4: {  	_ =	swait.ge [sflag:s29], $0x1  }
0xb5: {  	[sflag:s29] =	ssyncadd.s32 $0xFFFFFFFF  }
0xb6: {  	_ =	strace $0x90000048  }
0xb7: {  	_ =	sfence  }
0xb8: {  	s30 =	sld [smem:$0x0];
	_ =	sdelay $0x2  }
0xb9: {  	s31 =	sshll.u32 s1, $0xD;
	s1 =	sshrl.u32 s1, $0x2  }
0xba: {  	s3 =	sand.u32 $0x4000, s31;
	s1 =	sadd.s32 s1, s30  }
0xbb: {  	s0 =	sor.u32 s3, s0;
	s1 =	sshll.u32 s1, $0x11  }
0xbc: {  	s0 =	sor.u32 s1, s0  }
0xbd: {  	s0 =	sadd.s32 $0x8F2B, s0  }
0xbe: {  	[sflag:s0] =	ssyncadd.remote.s32 $0x1  }
0xbf: {  	_ =	sfence.sel $0xFFFF  }
0xc0: {  	[dreg:$0x0] =	wrdreg $0xFFFFFFFF;
	(pc) =	sbr.abs _section_cstart, $3  }
0xc1: {  	[dreg:$0x1] =	wrdreg $0xFFFFFFFF  }
0xc2: {  	_ =	task.clear_ibuf [dreg:s7], $0x2FFFF;
	_ =	strace $0x9FFFFFFF  }
0xc3: {  	(tm) =	ssettm $0x7FFFFFFF  }
tec
execute0_lowered:
.L_overlay_start_1:
0x0: {  	(tag) =	ssettag $0x1  }
0x1: {  	s0 =	rddreg [dreg:$0x0];
	s2 =	srdreg.scid  }
0x2: {  	s9 =	stileid.u32;
	s1 =	rddreg [dreg:$0x1];
	s11 =	simm.s32 $0xCB20  }
0x3: {  	s12 =	simm.s32 $0xFD20;
	s13 =	simm.s32 $0x12F20;
	s16 =	simm.s32 $0xD  }
0x4: {  	s17 =	simm.s32 $0xC8;
	s18 =	simm.s32 $0xE;
	s20 =	simm.s32 $0xF  }
0x5: {  	s22 =	simm.s32 $0x10;
	s5 =	sand.u32 $0x1, s2;
	s3 =	sshll.u32 s9, $0x1  }
0x6: {  	s24 =	simm.s32 $0x8;
	s25 =	simm.s32 $0x0;
	s4 =	sor.u32 s5, s3  }
0x7: {  	s2 =	rddreg [dreg:$0x2];
	p0 =	sne.s32 s9, $0x0;
	s4 =	smul.u32 $0x6400, s4  }
.Ltmp0:
0x8: {  	s9 =	simm.s32 $0x3520;
	s3 =	simm.s32 $0x0;
	(pc) =	sbr.rel .LBB2_1-.Ltmp0, $4  }
0x9: {  	s6 =	ssub.s32 $0x2, s5;
	s5 =	sadd.s32 $0xF43000, s0;
	[smem:$0x7FF] =	sst s3  }
0xa: {  	s7 =	sshrl.u32 s6, $0x1;
	_ =	strace $0x80000047;
	s31 =	sshrl.u32 s4, $0x3  }
0xb: {  	s10 =	ssub.s32 s6, s7;
	s6 =	sadd.s32 $0x19C00, s0;
	s8 =	sadd.s32 s31, s0  }
0xc: {  	v0 =	vimm.s32 $0x0;
	s7 =	sadd.s32 $0xC00, s8;
	s8 =	smax.u32 s10, $0x1;
	s10 =	simm.s32 $0x13  }
.LBB2_14:
0xd: {  	s25 =	sadd.s32 $0x1, s25  }
0xe: {  	p1 =	sne.s32 s25, s8  }
.Ltmp1:
0xf: {  	_ = 	snop;
	(pc) =	sbr.rel @!p1 .LBB2_15-.Ltmp1, $4  }
0x10: {  	_ = 	snop  }
0x11: {  	_ =	swait.ge [sflag:s24], $0x3200  }
0x12: {  	[sflag:s24] =	ssyncset.done $0x0  }
0x13: {  	[sflag:s24] =	ssyncadd.s32 $0xFFFFCE00  }
.LBB2_1:
0x14: {  	[tilespmem:s9], [sflag:$0x13] =	stream.linear.gather [hbm4b:s7+s3], $0x6400, $0x38;
	[tilespmem:$0x1C520] =	vst v63  }
0x15: {  	_ =	swait.ge [sflag:s10], $0x6400  }
0x16: {  	[sflag:s10] =	ssyncset.done $0x0  }
0x17: {  	[sflag:s10] =	ssyncadd.s32 $0xFFFF9C00  }
0x18: {  	[tilespmem:s3], [sflag:$0x13] =	stream.linear.gather [hbm4b:s6+s3], $0x3200, $0x38;
	[tilespmem:$0x1C520] =	vst v63  }
0x19: {  	_ =	swait.ge [sflag:s10], $0x3200  }
0x1a: {  	[sflag:s10] =	ssyncset.done $0x0  }
0x1b: {  	s0 =	simm.s32 @!p0 $0x0;
	[sflag:s10] =	ssyncadd.s32 $0xFFFFCE00  }
0x1c: {  	[spmem:s2] =	stream.linear.scatter @!p0 [tilespmem:s0], [sflag:$0x13], $0x3200, $0x38;
	[tilespmem:$0x1C520] =	vst v63  }
0x1d: {  	s0 =	simm.s32 @!p0 $0x13  }
0x1e: {  	_ =	swait.ge @!p0 [sflag:s0], $0x3200  }
0x1f: {  	[sflag:s0] =	ssyncset.done @!p0 $0x0  }
0x20: {  	[sflag:s0] =	ssyncadd.s32 @!p0 $0xFFFFCE00  }
0x21: {  	s26 =	simm.s32 $0x9920;
	[bflag:$0x0] =	sbarrier.arrive $0xFFFF  }
0x22: {  	[tilespmem:s26], [sflag:$0xD] =	stream.linear.gather [spmem:s2], $0x3200, $0x38;
	[tilespmem:$0x1C520] =	vst v63  }
0x23: {  	_ = 	snop  }
0x24: {  	[tilespmem:s11], [sflag:$0xE] =	stream.linear.gather [spmem:s2], $0x3200, $0x38;
	[tilespmem:$0x1C520] =	vst v63  }
0x25: {  	_ = 	snop  }
0x26: {  	[tilespmem:s12], [sflag:$0xF] =	stream.linear.gather [spmem:s2], $0x3200, $0x38;
	[tilespmem:$0x1C520] =	vst v63  }
0x27: {  	_ = 	snop  }
0x28: {  	[tilespmem:s13], [sflag:$0x10] =	stream.linear.gather [spmem:s2], $0x3200, $0x38;
	[tilespmem:$0x1C520] =	vst v63  }
0x29: {  	s19 =	simm.s32 $0x16120  }
0x2a: {  	[tilespmem:s19], [sflag:$0x11] =	stream.linear.gather [spmem:s2], $0x3200, $0x38;
	[tilespmem:$0x1C520] =	vst v63  }
0x2b: {  	s21 =	simm.s32 $0x19320  }
0x2c: {  	[tilespmem:s21], [sflag:$0x12] =	stream.linear.gather [spmem:s2], $0x3200, $0x38;
	[tilespmem:$0x1C520] =	vst v63  }
0x2d: {  	_ =	swait.ge [sflag:s16], $0x3200  }
0x2e: {  	[sflag:s16] =	ssyncset.done $0x0  }
0x2f: {  	[sflag:s16] =	ssyncadd.s32 $0xFFFFCE00  }
0x30: {  	[tilespmem:s26], [sflag:$0x1] =	stream.indirect.gather.add.f32 [hbm:s5], $0x40, s9, s17, $0xb8;
	[tilespmem:$0x1C520] =	vst v63  }
0x31: {  	_ =	swait.ge [sflag:s18], $0x3200  }
0x32: {  	[sflag:s18] =	ssyncset.done $0x0  }
0x33: {  	s23 =	simm.s32 $0x35E8;
	[sflag:s18] =	ssyncadd.s32 $0xFFFFCE00  }
0x34: {  	[tilespmem:s11], [sflag:$0x2] =	stream.indirect.gather.add.f32 [hbm:s5], $0x40, s23, s17, $0xb8;
	[tilespmem:$0x1C520] =	vst v63  }
0x35: {  	_ =	swait.ge [sflag:s20], $0x3200  }
0x36: {  	[sflag:s20] =	ssyncset.done $0x0  }
0x37: {  	s30 =	simm.s32 $0x36B0;
	[sflag:s20] =	ssyncadd.s32 $0xFFFFCE00  }
0x38: {  	[tilespmem:s12], [sflag:$0x3] =	stream.indirect.gather.add.f32 [hbm:s5], $0x40, s30, s17, $0xb8;
	[tilespmem:$0x1C520] =	vst v63  }
.Ltmp2:
0x39: {  	_ = 	snop;
	(pc) =	sbr.rel .LBB2_2-.Ltmp2, $4  }
0x3a: {  	_ =	swait.ge [sflag:s22], $0x3200  }
0x3b: {  	s31 =	simm.s32 $0x3778;
	[sflag:s22] =	ssyncset.done $0x0  }
0x3c: {  	s28 =	simm.s32 $0x0;
	s29 =	simm.s32 $0x0;
	[sflag:s22] =	ssyncadd.s32 $0xFFFFCE00  }
0x3d: {  	[tilespmem:s13], [sflag:$0x4] =	stream.indirect.gather.add.f32 [hbm:s5], $0x40, s31, s17, $0xb8;
	[tilespmem:$0x1C520] =	vst v63  }
.LBB2_10:
0x3e: {  	s14 =	smul.u32 $0xC800, s0;
	_ =	sdelay $0x1  }
0x3f: {  	s14 =	sshra.s32 s14, $0x2  }
0x40: {  	s31 =	sadd.s32 $0xD, s0;
	s14 =	sadd.s32 $0x9920, s14  }
0x41: {  	[tilespmem:s14], [sflag:s31] =	stream.linear.gather [spmem:s2], $0x3200, $0x38;
	[tilespmem:$0x1C520] =	vst v63  }
.LBB2_12:
0x42: {  	s0 =	sadd.s32 $0xFFFFFFFE, s29  }
0x43: {  	s14 =	sshll.u32 s0, $0x18  }
0x44: {  	s14 =	sshra.s32 s14, $0x18  }
0x45: {  	s14 =	smul.u32 $0x2B, s14;
	_ =	sdelay $0x1  }
0x46: {  	s15 =	sshrl.u32 s14, $0x1F;
	s14 =	sshrl.u32 s14, $0x8  }
0x47: {  	s14 =	sadd.s32 s15, s14  }
0x48: {  	s14 =	smul.u32 $0x6, s14;
	_ =	sdelay $0x1  }
0x49: {  	s0 =	ssub.s32 s0, s14  }
0x4a: {  	s0 =	sshll.u32 s0, $0x18  }
0x4b: {  	s0 =	sshra.s32 s0, $0x18  }
0x4c: {  	p1 =	slt.s32 s0, $0x0;
	s14 =	sadd.s32 $0x6, s0  }
0x4d: {  	s19 =	smul.u32 $0x320, s29;
	s0 =	smov.u32 @p1 s14  }
0x4e: {  	s14 =	sadd.s32 $0xD, s0;
	s23 =	smul.u32 $0xC800, s0  }
0x4f: {  	s31 =	sshra.s32 s19, $0x2;
	_ =	swait.ge [sflag:s14], $0x3200  }
0x50: {  	s15 =	sadd.s32 $0x3840, s31;
	[sflag:s14] =	ssyncset.done $0x0;
	s30 =	sshra.s32 s23, $0x2  }
0x51: {  	s0 =	sadd.s32 $0x1, s0;
	[sflag:s14] =	ssyncadd.s32 $0xFFFFCE00;
	s14 =	sadd.s32 $0x9920, s30  }
0x52: {  	[tilespmem:s14], [sflag:s0] =	stream.indirect.gather.add.f32 [hbm:s5], $0x40, s15, s17, $0xb8;
	[tilespmem:$0x1C520] =	vst v63  }
.LBB2_13:
0x53: {  	s29 =	sadd.s32 $0x1, s29  }
0x54: {  	p1 =	sne.s32 s29, $0x80  }
.Ltmp3:
0x55: {  	_ = 	snop;
	(pc) =	sbr.rel @!p1 .LBB2_14-.Ltmp3, $2  }
0x56: {  	_ =	sdelay $0x2  }
0x57: {  	s28 =	sadd.s32 $0xC8, s28;
	s26 =	sadd.s32 $0x3200, s26  }
.LBB2_2:
0x58: {  	s0 =	smul.u32 $0xAB, s29;
	_ =	sdelay $0x1  }
0x59: {  	s0 =	sshrl.u32 s0, $0xA  }
0x5a: {  	s0 =	sand.u32 $0x3F, s0  }
0x5b: {  	s0 =	smul.u32 $0x6, s0;
	_ =	sdelay $0x1  }
0x5c: {  	s0 =	ssub.s32 s29, s0  }
0x5d: {  	s30 =	sand.u32 $0xFF, s0  }
0x5e: {  	s0 =	sadd.s32 $0x1, s30  }
0x5f: {  	_ =	swait.ge [sflag:s0], $0x3200  }
0x60: {  	s31 =	smul.u32 $0xC8, s29;
	[sflag:s0] =	ssyncset.done $0x0  }
0x61: {  	[sflag:s0] =	ssyncadd.s32 $0xFFFFCE00  }
0x62: {  	v1 =	vld [tilespmem:s31+$0x3520]  }
0x63: {  	v2 =	vld [tilespmem:s31+$0x3530]  }
0x64: {  	v3 =	vld [tilespmem:s31+$0x3540]  }
0x65: {  	v4 =	vld [tilespmem:s31+$0x3550]  }
0x66: {  	v5 =	vld [tilespmem:s31+$0x3560]  }
0x67: {  	v6 =	vld [tilespmem:s31+$0x3570]  }
0x68: {  	vm0 =	veq.s32 v1, $0x0;
	vm1 =	veq.s32 v2, $0x0;
	v1 =	vld [tilespmem:s31+$0x3580]  }
0x69: {  	vm6 =	veq.s32 v3, $0x0;
	v3 =	vld [tilespmem:s31+$0x3590];
	v2 =	vsel vm0, $0x1, v0;
	v7 =	vsel vm1, $0x1, v0  }
0x6a: {  	v57 =	vld [tilespmem:s31+$0x35A0];
	vm7 =	veq.s32 v4, $0x0;
	v56 =	vsel vm6, $0x1, v0;
	v2 =	vadd.s32 v7, v2  }
0x6b: {  	v59 =	vld [tilespmem:s31+$0x35B0];
	vm8 =	veq.s32 v5, $0x0;
	v58 =	vsel vm7, $0x1, v0;
	v2 =	vadd.s32 v56, v2  }
0x6c: {  	v61 =	vld [tilespmem:s31+$0x35C0];
	vm9 =	veq.s32 v6, $0x0;
	v60 =	vsel vm8, $0x1, v0;
	v2 =	vadd.s32 v58, v2  }
0x6d: {  	v62 =	vsel vm9, $0x1, v0;
	v2 =	vadd.s32 v60, v2;
	vm10 =	veq.s32 v1, $0x0;
	v1 =	vld [tilespmem:s31+$0x35D0]  }
0x6e: {  	vm11 =	veq.s32 v3, $0x0;
	v2 =	vadd.s32 v62, v2;
	v63 =	vsel vm10, $0x1, v0  }
0x6f: {  	vm12 =	veq.s32 v57, $0x0;
	v3 =	vsel vm11, $0x1, v0;
	v2 =	vadd.s32 v63, v2  }
0x70: {  	vm13 =	veq.s32 v59, $0x0;
	v2 =	vadd.s32 v3, v2;
	v3 =	vsel vm12, $0x1, v0  }
0x71: {  	vm14 =	veq.s32 v61, $0x0;
	v2 =	vadd.s32 v3, v2;
	v3 =	vsel vm13, $0x1, v0  }
0x72: {  	v2 =	vadd.s32 v3, v2;
	v3 =	vsel vm14, $0x1, v0;
	vm15 =	veq.s32 v1, $0x0  }
0x73: {  	v1 =	vadd.s32 v3, v2;
	v2 =	vsel vm15, $0x1, v0  }
0x74: {  	v1 =	vadd.s32 v2, v1  }
0x75: {  	(xrf0) =	vadd.scan.msk.s32 $0xffff, v1;
	_ =	sdelay $0x5  }
0x76: {  	v1, _, _ =	vpop (xrf0)  }
0x77: {  	(v2sf) =	vpush v1, $0xF;
	_ =	sdelay $0xe  }
0x78: {  	s23 =	smulhi.u32 $0xAAAAAAAB, s29;
	s14 =	spop (v2sf)  }
0x79: {  	p1 =	slt.s32 s14, $0x1  }
.Ltmp4:
0x7a: {  	s0 =	sshrl.u32 s23, $0x2;
	(pc) =	sbr.rel @p1 .LBB2_6-.Ltmp4, $3  }
0x7b: {  	s0 =	smul.u32 $0xFFFB5000, s0;
	_ =	sdelay $0x1  }
0x7c: {  	s0 =	sshra.s32 s0, $0x2  }
0x7d: {  	s0 =	sadd.s32 s0, s26  }
0x7e: {  	v1 =	vmov s28;
	_ =	sdelay $0x2  }
0x7f: {  	s21 =	simm.s32 $0x0  }
0x80: {  	v2 =	vld [tilespmem:s21+$0x0]  }
0x81: {  	s14 =	sadd.s32 $0x0, s0;
	v1 =	vld.idx.msk [tilespmem:v1+s9+$0x0], $0xffff  }
0x82: {  	v3 =	vld [tilespmem:s14+$0x0];
	_ =	sdelay $0x3  }
0x83: {  	vm0 =	veq.s32 v1, $0x0  }
0x84: {  	v1 =	vsel vm0, v2, v3  }
0x85: {  	[tilespmem:s14+$0x0] =	vst v1;
	v1 =	vld [tilespmem:s14+$0x10]  }
0x86: {  	v2 =	vld [tilespmem:s21+$0x10];
	_ =	sdelay $0x4  }
0x87: {  	v1 =	vsel vm0, v2, v1  }
0x88: {  	[tilespmem:s14+$0x10] =	vst v1;
	v1 =	vld [tilespmem:s14+$0x20]  }
0x89: {  	v2 =	vld [tilespmem:s21+$0x20];
	_ =	sdelay $0x4  }
0x8a: {  	v1 =	vsel vm0, v2, v1  }
0x8b: {  	[tilespmem:s14+$0x20] =	vst v1;
	v1 =	vld [tilespmem:s14+$0x30]  }
0x8c: {  	v3 =	vld [tilespmem:s21+$0x30]  }
0x8d: {  	s19 =	sadd.s32 $0x1, s28  }
0x8e: {  	s15 =	simm.s32 $0x100;
	v2 =	vmov s19;
	s21 =	simm.s32 $0x200  }
.LBB2_4:
0x8f: {  	p1 =	sne.s32 s21, $0xC700;
	_ =	sdelay $0x1  }
0x90: {  	v1 =	vsel vm0, v3, v1  }
0x91: {  	[tilespmem:s14+$0x30] =	vst v1  }
0x92: {  	s23 =	sshra.s32 s15, $0x2;
	s15 =	smov.u32 s21;
	v1 =	vld.idx.msk [tilespmem:v2+s9+$0x0], $0xffff  }
0x93: {  	s14 =	sadd.s32 s23, s0;
	v2 =	vld [tilespmem:s23+$0x0]  }
0x94: {  	v3 =	vld [tilespmem:s14+$0x0];
	_ =	sdelay $0x3  }
0x95: {  	vm0 =	veq.s32 v1, $0x0  }
0x96: {  	v1 =	vsel vm0, v2, v3  }
0x97: {  	[tilespmem:s14+$0x0] =	vst v1;
	v1 =	vld [tilespmem:s14+$0x10]  }
0x98: {  	v2 =	vld [tilespmem:s23+$0x10];
	_ =	sdelay $0x4  }
0x99: {  	v1 =	vsel vm0, v2, v1  }
0x9a: {  	[tilespmem:s14+$0x10] =	vst v1;
	v1 =	vld [tilespmem:s14+$0x20]  }
0x9b: {  	v2 =	vld [tilespmem:s23+$0x20];
	_ =	sdelay $0x4  }
.Ltmp5:
0x9c: {  	v1 =	vsel vm0, v2, v1;
	(pc) =	sbr.rel @p1 .LBB2_4-.Ltmp5, $4  }
0x9d: {  	[tilespmem:s14+$0x20] =	vst v1;
	v1 =	vld [tilespmem:s14+$0x30]  }
0x9e: {  	v3 =	vld [tilespmem:s23+$0x30]  }
0x9f: {  	s19 =	sadd.s32 $0x1, s19  }
0xa0: {  	s21 =	sadd.s32 $0x100, s21;
	v2 =	vmov s19  }
0xa1: {  	_ =	sdelay $0x1  }
0xa2: {  	v1 =	vsel vm0, v3, v1  }
0xa3: {  	[tilespmem:s14+$0x30] =	vst v1  }
0xa4: {  	s23 =	sshra.s32 s15, $0x2;
	v1 =	vld.idx.msk [tilespmem:v2+s9+$0x0], $0xffff  }
0xa5: {  	s15 =	sadd.s32 s23, s0;
	v2 =	vld [tilespmem:s23+$0x0]  }
0xa6: {  	v3 =	vld [tilespmem:s15+$0x0];
	_ =	sdelay $0x3  }
0xa7: {  	vm15 =	veq.s32 v1, $0x0  }
0xa8: {  	v1 =	vsel vm15, v2, v3  }
0xa9: {  	[tilespmem:s15+$0x0] =	vst v1;
	v1 =	vld [tilespmem:s15+$0x10]  }
0xaa: {  	v2 =	vld [tilespmem:s23+$0x10];
	_ =	sdelay $0x4  }
0xab: {  	v1 =	vsel vm15, v2, v1  }
0xac: {  	[tilespmem:s15+$0x10] =	vst v1;
	v1 =	vld [tilespmem:s15+$0x20]  }
0xad: {  	v2 =	vld [tilespmem:s23+$0x20];
	_ =	sdelay $0x4  }
0xae: {  	v1 =	vsel vm15, v2, v1  }
0xaf: {  	[tilespmem:s15+$0x20] =	vst v1;
	v1 =	vld [tilespmem:s15+$0x30]  }
0xb0: {  	v2 =	vld [tilespmem:s23+$0x30];
	_ =	sdelay $0x4  }
0xb1: {  	v1 =	vsel vm15, v2, v1  }
0xb2: {  	[tilespmem:s15+$0x30] =	vst v1  }
.LBB2_6:
0xb3: {  	v1 =	vld [tilespmem:s0+$0x1F0]  }
0xb4: {  	v2 =	vld [tilespmem:s0+$0x10]  }
0xb5: {  	v3 =	vld [tilespmem:s0+$0x20]  }
0xb6: {  	v4 =	vld [tilespmem:s0+$0x30]  }
0xb7: {  	v5 =	vld [tilespmem:s0+$0x40]  }
0xb8: {  	v6 =	vld [tilespmem:s0+$0x50];
	v1 =	vmul.f32 $7.071067690e-01, v1  }
0xb9: {  	v7 =	vld [tilespmem:s0+$0x60];
	v2 =	vmul.f32 $7.071067690e-01, v2  }
0xba: {  	v8 =	vld [tilespmem:s0+$0x70];
	v3 =	vmul.f32 $7.071067690e-01, v3;
	[tilespmem:s0+$0x1F0] =	vst v1  }
0xbb: {  	[tilespmem:s0+$0x10] =	vst v2;
	v1 =	vmul.f32 $7.071067690e-01, v4;
	v2 =	vld [tilespmem:s0+$0x80]  }
0xbc: {  	[tilespmem:s0+$0x20] =	vst v3;
	v3 =	vmul.f32 $7.071067690e-01, v5;
	v4 =	vld [tilespmem:s0+$0x90]  }
0xbd: {  	v5 =	vld [tilespmem:s0+$0xA0];
	[tilespmem:s0+$0x30] =	vst v1;
	v1 =	vmul.f32 $7.071067690e-01, v6  }
0xbe: {  	[tilespmem:s0+$0x40] =	vst v3;
	v3 =	vmul.f32 $7.071067690e-01, v7;
	v6 =	vld [tilespmem:s0+$0xB0]  }
0xbf: {  	v7 =	vld [tilespmem:s0+$0xC0];
	[tilespmem:s0+$0x50] =	vst v1;
	v1 =	vmul.f32 $7.071067690e-01, v8  }
0xc0: {  	[tilespmem:s0+$0x60] =	vst v3;
	v3 =	vld [tilespmem:s0+$0xD0];
	v2 =	vmul.f32 $7.071067690e-01, v2  }
0xc1: {  	[tilespmem:s0+$0x70] =	vst v1;
	v1 =	vmul.f32 $7.071067690e-01, v4;
	v4 =	vld [tilespmem:s0+$0xE0]  }
0xc2: {  	[tilespmem:s0+$0x80] =	vst v2;
	v2 =	vmul.f32 $7.071067690e-01, v5;
	v5 =	vld [tilespmem:s0+$0xF0]  }
0xc3: {  	[tilespmem:s0+$0x90] =	vst v1;
	v1 =	vmul.f32 $7.071067690e-01, v6;
	v6 =	vld [tilespmem:s0+$0x100]  }
0xc4: {  	[tilespmem:s0+$0xA0] =	vst v2;
	v2 =	vmul.f32 $7.071067690e-01, v7;
	v7 =	vld [tilespmem:s0+$0x110]  }
0xc5: {  	[tilespmem:s0+$0xB0] =	vst v1;
	v1 =	vmul.f32 $7.071067690e-01, v3;
	v3 =	vld [tilespmem:s0+$0x120]  }
0xc6: {  	[tilespmem:s0+$0xC0] =	vst v2;
	v2 =	vmul.f32 $7.071067690e-01, v4;
	v4 =	vld [tilespmem:s0+$0x130]  }
0xc7: {  	[tilespmem:s0+$0xD0] =	vst v1;
	v1 =	vmul.f32 $7.071067690e-01, v5;
	v5 =	vld [tilespmem:s0+$0x140]  }
0xc8: {  	[tilespmem:s0+$0xE0] =	vst v2;
	v2 =	vmul.f32 $7.071067690e-01, v6;
	v6 =	vld [tilespmem:s0+$0x150]  }
0xc9: {  	[tilespmem:s0+$0xF0] =	vst v1;
	v1 =	vmul.f32 $7.071067690e-01, v7;
	v7 =	vld [tilespmem:s0+$0x160]  }
0xca: {  	[tilespmem:s0+$0x100] =	vst v2;
	v2 =	vmul.f32 $7.071067690e-01, v3;
	v3 =	vld [tilespmem:s0+$0x170]  }
0xcb: {  	[tilespmem:s0+$0x110] =	vst v1;
	v1 =	vmul.f32 $7.071067690e-01, v4;
	v4 =	vld [tilespmem:s0+$0x180]  }
0xcc: {  	[tilespmem:s0+$0x120] =	vst v2;
	v2 =	vmul.f32 $7.071067690e-01, v5;
	v5 =	vld [tilespmem:s0+$0x190]  }
0xcd: {  	v8 =	vld [tilespmem:s0+$0x1A0];
	[tilespmem:s0+$0x130] =	vst v1;
	v6 =	vmul.f32 $7.071067690e-01, v6  }
0xce: {  	v1 =	vld [tilespmem:s0+$0x1B0];
	[tilespmem:s0+$0x140] =	vst v2;
	v7 =	vmul.f32 $7.071067690e-01, v7  }
0xcf: {  	s14 =	smul.u32 $0xC800, s30;
	v2 =	vld [tilespmem:s0+$0x1C0];
	[tilespmem:s0+$0x150] =	vst v6;
	v6 =	vmul.f32 $7.071067690e-01, v3  }
0xd0: {  	v3 =	vld [tilespmem:s0+$0x1D0];
	[tilespmem:s0+$0x160] =	vst v7;
	v7 =	vmul.f32 $7.071067690e-01, v4  }
0xd1: {  	s14 =	sshrl.u32 s14, $0x2;
	v4 =	vld [tilespmem:s0+$0x1E0];
	[tilespmem:s0+$0x170] =	vst v6;
	v6 =	vmul.f32 $7.071067690e-01, v5  }
0xd2: {  	s15 =	simm.s32 $0x0;
	s19 =	sadd.s32 $0x200, s0;
	s14 =	sadd.s32 $0x9920, s14;
	v5 =	vld [tilespmem:s0+$0x0];
	[tilespmem:s0+$0x180] =	vst v7;
	v7 =	vmul.f32 $7.071067690e-01, v8  }
.LBB2_7:
0xd3: {  	v8 =	vld [tilespmem:s19+$0x1F0];
	s15 =	sadd.s32 $0x8, s15;
	[tilespmem:s0+$0x190] =	vst v6;
	v1 =	vmul.f32 $7.071067690e-01, v1  }
0xd4: {  	v6 =	vld [tilespmem:s19+$0x10];
	p1 =	slt.u32 s15, $0xC0;
	[tilespmem:s0+$0x1A0] =	vst v7;
	v2 =	vmul.f32 $7.071067690e-01, v2  }
0xd5: {  	v7 =	vld [tilespmem:s19+$0x20];
	[tilespmem:s0+$0x1B0] =	vst v1;
	v1 =	vmul.f32 $7.071067690e-01, v3  }
0xd6: {  	v3 =	vld [tilespmem:s19+$0x30];
	[tilespmem:s0+$0x1C0] =	vst v2;
	v2 =	vmul.f32 $7.071067690e-01, v4  }
0xd7: {  	v4 =	vld [tilespmem:s19+$0x40];
	v5 =	vmul.f32 $7.071067690e-01, v5;
	[tilespmem:s0+$0x1D0] =	vst v1  }
0xd8: {  	v1 =	vld [tilespmem:s19+$0x50];
	v8 =	vmul.f32 $7.071067690e-01, v8;
	[tilespmem:s0+$0x1E0] =	vst v2  }
0xd9: {  	v2 =	vmul.f32 $7.071067690e-01, v6;
	v6 =	vld [tilespmem:s19+$0x60];
	[tilespmem:s0+$0x0] =	vst v5;
	s0 =	smov.u32 s19  }
0xda: {  	v5 =	vmul.f32 $7.071067690e-01, v7;
	v7 =	vld [tilespmem:s19+$0x70];
	[tilespmem:s19+$0x1F0] =	vst v8  }
0xdb: {  	[tilespmem:s19+$0x10] =	vst v2;
	v2 =	vmul.f32 $7.071067690e-01, v3;
	v3 =	vld [tilespmem:s19+$0x80]  }
0xdc: {  	[tilespmem:s19+$0x20] =	vst v5;
	v4 =	vmul.f32 $7.071067690e-01, v4;
	v5 =	vld [tilespmem:s19+$0x90]  }
0xdd: {  	[tilespmem:s19+$0x30] =	vst v2;
	v1 =	vmul.f32 $7.071067690e-01, v1;
	v2 =	vld [tilespmem:s19+$0xA0]  }
0xde: {  	[tilespmem:s19+$0x40] =	vst v4;
	v4 =	vmul.f32 $7.071067690e-01, v6;
	v6 =	vld [tilespmem:s19+$0xB0]  }
0xdf: {  	[tilespmem:s19+$0x50] =	vst v1;
	v1 =	vmul.f32 $7.071067690e-01, v7;
	v7 =	vld [tilespmem:s19+$0xC0]  }
0xe0: {  	[tilespmem:s19+$0x60] =	vst v4;
	v3 =	vmul.f32 $7.071067690e-01, v3;
	v4 =	vld [tilespmem:s19+$0xD0]  }
0xe1: {  	[tilespmem:s19+$0x70] =	vst v1;
	v1 =	vmul.f32 $7.071067690e-01, v5;
	v5 =	vld [tilespmem:s19+$0xE0]  }
0xe2: {  	[tilespmem:s19+$0x80] =	vst v3;
	v2 =	vmul.f32 $7.071067690e-01, v2;
	v3 =	vld [tilespmem:s19+$0xF0]  }
0xe3: {  	[tilespmem:s19+$0x90] =	vst v1;
	v1 =	vmul.f32 $7.071067690e-01, v6;
	v6 =	vld [tilespmem:s19+$0x100]  }
0xe4: {  	[tilespmem:s19+$0xA0] =	vst v2;
	v2 =	vmul.f32 $7.071067690e-01, v7;
	v7 =	vld [tilespmem:s19+$0x110]  }
0xe5: {  	[tilespmem:s19+$0xB0] =	vst v1;
	v1 =	vmul.f32 $7.071067690e-01, v4;
	v4 =	vld [tilespmem:s19+$0x120]  }
0xe6: {  	[tilespmem:s19+$0xC0] =	vst v2;
	v2 =	vmul.f32 $7.071067690e-01, v5;
	v5 =	vld [tilespmem:s19+$0x130]  }
0xe7: {  	[tilespmem:s19+$0xD0] =	vst v1;
	v1 =	vmul.f32 $7.071067690e-01, v3;
	v3 =	vld [tilespmem:s19+$0x140]  }
0xe8: {  	[tilespmem:s19+$0xE0] =	vst v2;
	v2 =	vmul.f32 $7.071067690e-01, v6;
	v6 =	vld [tilespmem:s19+$0x150]  }
0xe9: {  	[tilespmem:s19+$0xF0] =	vst v1;
	v1 =	vmul.f32 $7.071067690e-01, v7;
	v7 =	vld [tilespmem:s19+$0x160]  }
0xea: {  	[tilespmem:s19+$0x100] =	vst v2;
	v2 =	vmul.f32 $7.071067690e-01, v4;
	v4 =	vld [tilespmem:s19+$0x170]  }
0xeb: {  	[tilespmem:s19+$0x110] =	vst v1;
	v1 =	vmul.f32 $7.071067690e-01, v5;
	v5 =	vld [tilespmem:s19+$0x180]  }
0xec: {  	[tilespmem:s19+$0x120] =	vst v2;
	v2 =	vmul.f32 $7.071067690e-01, v3;
	v8 =	vld [tilespmem:s19+$0x190]  }
0xed: {  	[tilespmem:s19+$0x130] =	vst v1;
	v3 =	vmul.f32 $7.071067690e-01, v6;
	v9 =	vld [tilespmem:s19+$0x1A0]  }
.Ltmp6:
0xee: {  	[tilespmem:s19+$0x140] =	vst v2;
	v6 =	vmul.f32 $7.071067690e-01, v7;
	v1 =	vld [tilespmem:s19+$0x1B0];
	(pc) =	sbr.rel @p1 .LBB2_7-.Ltmp6, $4  }
0xef: {  	[tilespmem:s19+$0x150] =	vst v3;
	v4 =	vmul.f32 $7.071067690e-01, v4;
	v2 =	vld [tilespmem:s19+$0x1C0]  }
0xf0: {  	[tilespmem:s19+$0x160] =	vst v6;
	v7 =	vmul.f32 $7.071067690e-01, v5;
	v3 =	vld [tilespmem:s19+$0x1D0]  }
0xf1: {  	[tilespmem:s19+$0x170] =	vst v4;
	v6 =	vmul.f32 $7.071067690e-01, v8;
	v4 =	vld [tilespmem:s19+$0x1E0]  }
0xf2: {  	s19 =	sadd.s32 $0x200, s19;
	v5 =	vld [tilespmem:s0+$0x0];
	[tilespmem:s0+$0x180] =	vst v7;
	v7 =	vmul.f32 $7.071067690e-01, v9  }
0xf3: {  	[tilespmem:s0+$0x190] =	vst v6;
	v1 =	vmul.f32 $7.071067690e-01, v1  }
0xf4: {  	[tilespmem:s0+$0x1A0] =	vst v7;
	v2 =	vmul.f32 $7.071067690e-01, v2  }
0xf5: {  	p1 =	seq.s32 s29, $0x0;
	[tilespmem:s0+$0x1B0] =	vst v1;
	v1 =	vmul.f32 $7.071067690e-01, v3  }
.Ltmp7:
0xf6: {  	[tilespmem:s0+$0x1C0] =	vst v2;
	v2 =	vmul.f32 $7.071067690e-01, v4;
	(pc) =	sbr.rel @p1 .LBB2_12-.Ltmp7, $4  }
0xf7: {  	s15 =	sadd.s32 s4, s31;
	v3 =	vmul.f32 $7.071067690e-01, v5;
	[tilespmem:s0+$0x1D0] =	vst v1  }
0xf8: {  	s15 =	sshll.u32 s15, $0x3;
	[tilespmem:s0+$0x1E0] =	vst v2  }
0xf9: {  	s31 =	sadd.s32 $0x7, s30;
	s15 =	sadd.s32 s1, s15;
	[tilespmem:s0+$0x0] =	vst v3  }
0xfa: {  	[hbm4b:s15+s3] =	stream.linear.scatter [tilespmem:s14], [sflag:s31], $0x3200, $0x38;
	[tilespmem:$0x1C520] =	vst v63  }
0xfb: {  	s0 =	sadd.s32 $0xFFFFFFFF, s29  }
0xfc: {  	s14 =	smulhi.u32 $0xAAAAAAAB, s0;
	_ =	sdelay $0x1  }
0xfd: {  	s14 =	sshrl.u32 s14, $0x2  }
0xfe: {  	s14 =	smul.u32 $0x6, s14  }
0xff: {  	p1 =	sgt.u32 s29, $0x7A  }
.Ltmp8:
0x100: {  	s0 =	ssub.s32 s0, s14;
	(pc) =	sbr.rel @!p1 .LBB2_10-.Ltmp8, $4  }
0x101: {  	s14 =	sadd.s32 $0x7, s0  }
0x102: {  	_ =	swait.ge [sflag:s14], $0x3200  }
0x103: {  	[sflag:s14] =	ssyncset.done $0x0  }
0x104: {  	[sflag:s14] =	ssyncadd.s32 $0xFFFFCE00  }
0x105: {  	p1 =	sne.s32 s29, $0x7B  }
.Ltmp9:
0x106: {  	_ = 	snop;
	(pc) =	sbr.rel @p1 .LBB2_13-.Ltmp9, $4  }
.Ltmp10:
0x107: {  	_ = 	snop;
	(pc) =	sbr.rel @!p1 .LBB2_12-.Ltmp10, $4  }
0x108: {  	_ = 	snop  }
0x109: {  	_ = 	snop  }
0x10a: {  	_ = 	snop  }
0x10b: {  	_ = 	snop  }
.LBB2_15:
0x10c: {  	_ =	sfence.sel $0x180000  }
0x10d: {  	[bflag:$0x0] =	sbarrier.arrive $0xFFFF  }
0x10e: {  	_ =	strace $0x90000047  }
0x10f: {  	[bflag:$0x2] =	sbarrier.arrive $0xFFFF  }
0x110: {  	s0 =	rddreg [dreg:$0x3]  }
0x111: {  	s0 =	sadd.s32 @!p0 $0x100000, s0  }
0x112: {  	[sflag:s0] =	ssyncadd.tile.s32 @!p0 $0x1;
	_ =	shalt  }
.Lfunc_end2:
_tile_overlayer_lowered:
.L_overlay_start_2:
0x113: {  	(tag) =	ssettag $0x2  }
0x114: {  	s0 =	rddreg [dreg:$0x0];
	s2 =	stileid.u32  }
0x115: {  	s1 =	rddreg [dreg:$0x1];
	p0 =	sne.s32 s2, $0x0  }
0x116: {  	s3 =	rddreg [dreg:$0x2];
	[bflag:$0x3] =	sbarrier.arrive $0xFFFF;
	s2 =	simm.s32 @!p0 $0x1C13  }
0x117: {  	[timem:s3], [sflag:s2] =	dma.local @!p0 [hbm:s0], s1  }
0x118: {  	s0 =	simm.s32 @!p0 $0x13  }
0x119: {  	_ =	swait.ge @!p0 [sflag:s0], s1  }
0x11a: {  	s1 =	ssub.s32 @!p0 $0x0, s1;
	[sflag:s0] =	ssyncset.done @!p0 $0x0  }
0x11b: {  	[sflag:s0] =	ssyncadd.s32 @!p0 s1  }
0x11c: {  	[bflag:$0x3] =	sbarrier.arrive $0xFFFF  }
0x11d: {  	_ =	shalt  }

// kernel: sparse-core-data-format-call.cloned.1.call-start
scs
called_computation_lowered:
.L_overlay_start_0:
0x0: {  	s2 =	sld [smem:$0x3FD9]  }
0x1: {  	s3 =	sld [smem:$0x3FFE];
	_ =	sdelay $0x1  }
0x2: {  	s1 =	srdreg.scid  }
0x3: {  	s0 =	sand.u32 $0x1, s1  }
0x4: {  	s18 =	sshll.u32 s0, $0xA;
	s2 =	sadd.s32 s3, s2  }
0x5: {  	s2 =	sadd.s32 s2, s18  }
0x6: {  	[smem:$0x3FC5] =	sst s2  }
0x7: {  	_ = 	snop  }
0x8: {  	s2 =	sld [smem:$0x3FD0];
	(tm) =	ssettm $0x1  }
0x9: {  	s19 =	sld [smem:$0x3FFB];
	_ =	sdelay $0x3  }
0xa: {  	_ =	strace s19  }
0xb: {  	s3 =	sld [smem:$0x3FFC];
	_ =	sdelay $0x3  }
0xc: {  	_ =	strace s3  }
0xd: {  	s3 =	sld [smem:$0x3FFD];
	_ =	sdelay $0x3  }
0xe: {  	_ =	strace s3  }
0xf: {  	_ =	strace $0x8FFFFFFF  }
0x10: {  	s20 =	sld [smem:$0x3FDB];
	_ =	sdelay $0x1  }
0x11: {  	s4 =	simm.s32 $_scs_section_size  }
0x12: {  	s5 =	simm.s32 $_size__tile_overlayer_lowered;
	s6 =	simm.s32 $_tile_overlayer_lowered  }
0x13: {  	s23 =	simm.s32 $0x1BFF;
	s22 =	sshll.u32 s6, $0x1;
	s3 =	sadd.s32 s4, s20  }
0x14: {  	s7 =	simm.s32 $0x0;
	s21 =	sshll.u32 s5, $0x1;
	s5 =	sadd.s32 s22, s3  }
0x15: {  	[timem:s7], [sflag:s23] =	dma.local [hbm:s5], s21  }
0x16: {  	_ =	swait.ge [sflag:s23], s21  }
0x17: {  	s4 =	ssub.s32 $0x0, s21;
	[sflag:s23] =	ssyncset.done $0x0  }
0x18: {  	[sflag:s23] =	ssyncadd.s32 s4;
	_ =	sdelay $0x1  }
0x19: {  	s24 =	simm.s32 $0x1B8B  }
0x1a: {  	_ =	swait.ge [sflag:s24], $0x1  }
0x1b: {  	[sflag:s24] =	ssyncset.done $0x0  }
0x1c: {  	s26 =	simm.s32 $0x1B8E;
	s25 =	sld [smem:$0x3FFE];
	[sflag:s24] =	ssyncadd.s32 $0xFFFFFFFF  }
0x1d: {  	s27 =	simm.s32 $execute0_lowered;
	[smem:$0x3FD2] =	sst s26  }
0x1e: {  	s5 =	sshll.u32 s27, $0x1;
	_ =	strace $0x80000049;
	[dreg:$0x1] =	wrdreg $0xFFFFFFFF  }
0x1f: {  	s28 =	simm.s32 $_size_execute0_lowered;
	s3 =	sadd.s32 s3, s5;
	[dreg:$0x0] =	wrdreg $0x0  }
0x20: {  	s5 =	sshll.u32 s28, $0x1;
	[dreg:$0x2] =	wrdreg s3  }
0x21: {  	[dreg:$0x3] =	wrdreg s5  }
0x22: {  	[dreg:$0x4] =	wrdreg $0xC0  }
0x23: {  	_ =	task [dreg:s7], $0x5FFFF  }
0x24: {  	[dreg:$0x1] =	wrdreg $0xFFFFFFFF  }
0x25: {  	[dreg:$0x0] =	wrdreg $0x60  }
0x26: {  	[dreg:$0x2] =	wrdreg s25  }
0x27: {  	[dreg:$0x3] =	wrdreg s2  }
0x28: {  	[dreg:$0x4] =	wrdreg $0x9  }
0x29: {  	_ =	task.clear_ibuf [dreg:s7], $0x5FFFF;
	_ =	strace $0x90000049  }
0x2a: {  	s29 =	simm.s32 $0x9;
	_ =	strace $0x8000004B  }
0x2b: {  	_ =	swait.ge [sflag:s29], $0x1  }
0x2c: {  	[sflag:s29] =	ssyncadd.s32 $0xFFFFFFFF  }
0x2d: {  	_ =	strace $0x9000004B  }
0x2e: {  	_ =	sfence  }
0x2f: {  	s30 =	sld [smem:$0x0];
	_ =	sdelay $0x2  }
0x30: {  	s31 =	sshll.u32 s1, $0xD;
	s1 =	sshrl.u32 s1, $0x2  }
0x31: {  	s3 =	sand.u32 $0x4000, s31;
	s1 =	sadd.s32 s1, s30  }
0x32: {  	s0 =	sor.u32 s3, s0;
	s1 =	sshll.u32 s1, $0x11  }
0x33: {  	s0 =	sor.u32 s1, s0  }
0x34: {  	s0 =	sadd.s32 $0x8F2B, s0  }
0x35: {  	[sflag:s0] =	ssyncadd.remote.s32 $0x1  }
0x36: {  	_ =	sfence.sel $0xFFFF  }
0x37: {  	[dreg:$0x0] =	wrdreg $0xFFFFFFFF;
	(pc) =	sbr.abs _section_cstart, $3  }
0x38: {  	[dreg:$0x1] =	wrdreg $0xFFFFFFFF  }
0x39: {  	_ =	task.clear_ibuf [dreg:s7], $0x2FFFF;
	_ =	strace $0x9FFFFFFF  }
0x3a: {  	(tm) =	ssettm $0x7FFFFFFF  }
0x3b: {  	_ =	shalt  }
tec
execute0_lowered:
.L_overlay_start_1:
0x0: {  	(tag) =	ssettag $0x1  }
0x1: {  	s0 =	srdreg.scid  }
0x2: {  	s1 =	sshll.u32 s0, $0x4  }
0x3: {  	s0 =	stileid.u32;
	s1 =	sand.u32 $0x10, s1  }
0x4: {  	s1 =	sor.u32 s0, s1  }
0x5: {  	s6 =	rddreg [dreg:$0x0];
	s4 =	simm.s32 $0x1;
	s2 =	sshll.u32 s1, $0x7  }
0x6: {  	s7 =	simm.s32 $0x2;
	s12 =	simm.s32 $0x0;
	s1 =	ssub.s32 $0x1000, s2  }
0x7: {  	s8 =	simm.s32 $0x8000;
	s13 =	simm.s32 $0x0;
	s3 =	sand.u32 $0xF80, s1  }
0x8: {  	s9 =	simm.s32 $0x0;
	s5 =	sshrl.u32 s1, $0xC;
	p0 =	sne.s32 s3, $0x0  }
.Ltmp0:
0x9: {  	s1 =	rddreg [dreg:$0x2];
	s4 =	simm.s32 @!p0 $0x0;
	(pc) =	sbr.rel .LBB1_1-.Ltmp0, $4  }
0xa: {  	s11 =	simm.s32 $0x0;
	s3 =	rddreg [dreg:$0x1];
	s5 =	sadd.s32 s4, s5  }
0xb: {  	_ =	strace $0x8000004A;
	s4 =	simm.s32 $0x1;
	s5 =	smul.u32 $0xC8, s5  }
0xc: {  	s6 =	sadd.s32 $0xC00, s6;
	s10 =	smov.u32 s2;
	[sflag:s4] =	ssyncpa.u1 $0x0  }
0xd: {  	p0 =	por $0x0, $0x0;
	[sflag:s7] =	ssyncpa.u1 $0x0;
	s7 =	sor.u32 $0x1, s5  }
.LBB1_4:
0xe: {  	s16 =	sshll.u32 s13, $0x3;
	s17 =	sand.u32 $0x78, s13  }
0xf: {  	s30 =	sand.u32 $0x7E00, s13;
	s12 =	sshll.u32 s12, $0xF;
	s16 =	sand.u32 $0xC00, s16  }
0x10: {  	[tilespmem:s15+$0x810 ss:$0x81] =	vst.msk $0xffff, v2;
	s31 =	sand.u32 $0x7, s13;
	s16 =	sor.u32 s17, s16;
	s17 =	sadd.s32 s3, s30  }
0x11: {  	[tilespmem:s15+$0x1020 ss:$0x81] =	vst.msk $0xffff, v0;
	s13 =	sshll.u32 s31, $0x12;
	s12 =	sadd.s32 s12, s17;
	s16 =	sshrl.u32 s16, $0x3  }
0x12: {  	[tilespmem:s15+$0x0 ss:$0x81] =	vst.msk $0xffff, v1;
	s13 =	sor.u32 $0x400, s13;
	s12 =	sadd.s32 s16, s12  }
0x13: {  	[hbm4b:s12+s13] =	stream.strided.scatter [tilespmem:s14], [sflag:$0x2], $0x2000, s8, s13, $0x20;
	[tilespmem:$0x8080] =	vst v63  }
.LBB1_5:
0x14: {  	s14 =	sadd.s32 $0x1, s9  }
0x15: {  	s12 =	sadd.s32 $0x1000, s10;
	s16 =	smov.u32 s10;
	p2 =	sgt.s32 s14, $0xC7  }
0x16: {  	s16 =	smov.u32 @p2 s12  }
0x17: {  	s14 =	simm.s32 @p2 $0x0;
	p2 =	sgt.s32 s16, $0xFFF  }
0x18: {  	s16 =	smov.u32 @p2 s2;
	p2 =	sne.s32 s11, s7  }
.Ltmp1:
0x19: {  	p1 =	slt.u32 s11, $0x2;
	(pc) =	sbr.rel @!p2 .LBB1_6-.Ltmp1, $4  }
0x1a: {  	s15 =	simm.s32 @!p1 $0x2  }
0x1b: {  	s13 =	smov.u32 s10;
	p0 =	por !p0, !p0;
	_ =	swait.ge @!p1 [sflag:s15], $0x2000  }
0x1c: {  	s12 =	smov.u32 s9;
	[sflag:s15] =	ssyncset.done @!p1 $0x0;
	s9 =	smov.u32 s14  }
0x1d: {  	s11 =	sadd.s32 $0x1, s11;
	[sflag:s15] =	ssyncadd.s32 @!p1 $0xFFFFE000;
	s10 =	smov.u32 s16  }
.LBB1_1:
0x1e: {  	p1 =	sge.u32 s11, s5  }
0x1f: {  	s14 =	sand.u32 @!p1 $0x1FFFFFF, s9  }
0x20: {  	s15 =	smulhi.u32 @!p1 $0x147AE15, s14;
	_ =	sdelay $0x1  }
0x21: {  	s15 =	smul.u32 @!p1 $0xC8, s15  }
0x22: {  	s16 =	sxor.u32 @!p1 $0xFFFFFFFF, s11;
	s17 =	smul.u32 @!p1 $0xC80, s10  }
0x23: {  	s31 =	sadd.s32 $0xFFFFFFFF, s11;
	s16 =	sshll.u32 @!p1 s16, $0xD;
	s14 =	ssub.s32 @!p1 s14, s15  }
0x24: {  	s15 =	sand.u32 @!p1 $0x2000, s16;
	s16 =	sadd.s32 @!p1 s6, s17;
	s14 =	sshll.u32 @!p1 s14, $0x4  }
0x25: {  	s17 =	simm.s32 @!p1 $0x6400;
	s14 =	sadd.s32 @!p1 s14, s16;
	s16 =	simm.s32 @!p1 $0x40  }
0x26: {  	[tilespmem:s15], [sflag:$0x1] =	stream.strided.gather @!p1 [hbm4b:s14+s16], $0x2000, s17, s16, $0x38;
	[tilespmem:$0x8080] =	vst v63  }
0x27: {  	p1 =	sge.u32 s31, s5  }
.Ltmp2:
0x28: {  	_ = 	snop;
	(pc) =	sbr.rel @p1 .LBB1_5-.Ltmp2, $1  }
0x29: {  	_ =	sdelay $0x3  }
0x2a: {  	s14 =	simm.s32 $0x1  }
0x2b: {  	_ =	swait.ge [sflag:s4], $0x2000;
	s14 =	simm.s32 @!p0 $0x0  }
0x2c: {  	[sflag:s4] =	ssyncset.done $0x0;
	s15 =	sshll.u32 s14, $0xD  }
0x2d: {  	[sflag:s4] =	ssyncadd.s32 $0xFFFFE000;
	s18 =	sor.u32 $0x20, s15  }
0x2e: {  	s14 =	smul.u32 $0x8100, s14;
	v3 =	vld [tilespmem:s18+$0x10]  }
0x2f: {  	s30 =	sand.u32 $0x1, s11;
	v2 =	vld [tilespmem:s18+$0xFFFFFFF0]  }
0x30: {  	s15 =	smul.u32 $0x8100, s30;
	s14 =	sshrl.u32 s14, $0x2;
	v0 =	vld [tilespmem:s18+$0x0]  }
0x31: {  	v1 =	vld [tilespmem:s18+$0xFFFFFFE0];
	s16 =	sor.u32 $0x4000, s14  }
0x32: {  	s31 =	sshrl.u32 s15, $0x2;
	s15 =	sadd.s32 $0x0, s16  }
0x33: {  	s17 =	simm.s32 $0x4;
	s18 =	sadd.s32 $0x40, s18;
	s14 =	sor.u32 $0x4000, s31;
	[tilespmem:s15+$0x1830 ss:$0x81] =	vst.msk $0xffff, v3  }
.LBB1_3:
0x34: {  	v3 =	vld [tilespmem:s18+$0x10];
	p1 =	sne.s32 s17, $0x1FC;
	[tilespmem:s15+$0x810 ss:$0x81] =	vst.msk $0xffff, v2;
	s19 =	smov.u32 s17;
	s17 =	sadd.s32 $0x4, s17  }
.Ltmp3:
0x35: {  	v2 =	vld [tilespmem:s18+$0xFFFFFFF0];
	[tilespmem:s15+$0x1020 ss:$0x81] =	vst.msk $0xffff, v0;
	(pc) =	sbr.rel @p1 .LBB1_3-.Ltmp3, $4  }
0x36: {  	v0 =	vld [tilespmem:s18+$0x0];
	[tilespmem:s15+$0x0 ss:$0x81] =	vst.msk $0xffff, v1  }
0x37: {  	s15 =	sshra.s32 s19, $0x2;
	v1 =	vld [tilespmem:s18+$0xFFFFFFE0]  }
0x38: {  	s15 =	sadd.s32 s15, s16  }
0x39: {  	s18 =	sadd.s32 $0x40, s18;
	[tilespmem:s15+$0x1830 ss:$0x81] =	vst.msk $0xffff, v3  }
.Ltmp4:
0x3a: {  	_ = 	snop;
	(pc) =	sbr.rel .LBB1_4-.Ltmp4, $1  }
0x3b: {  	_ =	sdelay $0x3  }
.LBB1_6:
0x3c: {  	_ =	sfence.sel $0x180000  }
0x3d: {  	s2 =	simm.s32 $0x1;
	[bflag:$0x0] =	sbarrier.arrive $0xFFFF  }
0x3e: {  	s31 =	simm.s32 $0x2;
	[sflag:s2] =	ssyncpa.u1 $0x1  }
0x3f: {  	[sflag:s31] =	ssyncpa.u1 $0x1  }
0x40: {  	p0 =	sne.s32 s0, $0x0;
	_ =	strace $0x9000004A  }
0x41: {  	s0 =	sadd.s32 @!p0 $0x100000, s1;
	[bflag:$0x2] =	sbarrier.arrive $0xFFFF  }
0x42: {  	[sflag:s0] =	ssyncadd.tile.s32 @!p0 $0x1;
	_ =	shalt  }
.Lfunc_end1:
_tile_overlayer_lowered:
.L_overlay_start_2:
0x43: {  	(tag) =	ssettag $0x2  }
0x44: {  	s0 =	rddreg [dreg:$0x0];
	s2 =	stileid.u32  }
0x45: {  	s1 =	rddreg [dreg:$0x1];
	p0 =	sne.s32 s2, $0x0  }
0x46: {  	s3 =	rddreg [dreg:$0x2];
	[bflag:$0x3] =	sbarrier.arrive $0xFFFF;
	s2 =	simm.s32 @!p0 $0x1C01  }
0x47: {  	[timem:s3], [sflag:s2] =	dma.local @!p0 [hbm:s0], s1  }
0x48: {  	s0 =	simm.s32 @!p0 $0x1  }
0x49: {  	_ =	swait.ge @!p0 [sflag:s0], s1  }
0x4a: {  	s1 =	ssub.s32 @!p0 $0x0, s1;
	[sflag:s0] =	ssyncset.done @!p0 $0x0  }
0x4b: {  	[sflag:s0] =	ssyncadd.s32 @!p0 s1  }
0x4c: {  	[bflag:$0x3] =	sbarrier.arrive $0xFFFF  }
0x4d: {  	_ =	shalt  }

</sc_bundles>
